<compile_context>
chip_gen: v7x
topology: tpu7x:2x2x1
jax: 0.10.2.dev20260603
libtpu: 0.0.44.dev20260713+nightly
codegen_flags: <defaults>
</compile_context>

<pallas_src>
import functools

import jax
import jax.numpy as jnp
from jax import lax
from jax.experimental import pallas as pl
from jax.experimental.pallas import tpu as pltpu
from jax.experimental.pallas import tpu_sc as plsc

_NBINS = 4096
_NC, _NS, _L = 2, 16, 16
_NW = _NC * _NS
_NE = 4112
_MAX_PERCENTILE = 0.999999
_MIN_PERCENTILE = 0.999999


def _mm_body(x_ref, mn_ref, mx_ref):
    i = pl.program_id(0)
    b = x_ref[...]
    bmn = jnp.min(jnp.min(b, axis=1))
    bmx = jnp.max(jnp.max(b, axis=1))

    @pl.when(i == 0)
    def _():
        mn_ref[0, 0] = bmn
        mx_ref[0, 0] = bmx

    @pl.when(i != 0)
    def _():
        mn_ref[0, 0] = jnp.minimum(mn_ref[0, 0], bmn)
        mx_ref[0, 0] = jnp.maximum(mx_ref[0, 0], bmx)


def _minmax_tc(x2):
    rows, cols = x2.shape
    grid = 16
    blk = rows // grid
    mn, mx = pl.pallas_call(
        _mm_body,
        grid=(grid,),
        in_specs=[pl.BlockSpec((blk, cols), lambda i: (i, 0))],
        out_specs=[
            pl.BlockSpec(memory_space=pltpu.SMEM),
            pl.BlockSpec(memory_space=pltpu.SMEM),
        ],
        out_shape=[
            jax.ShapeDtypeStruct((1, 1), jnp.float32),
            jax.ShapeDtypeStruct((1, 1), jnp.float32),
        ],
    )(x2)
    return mn[0, 0], mx[0, 0]


def _exact_edges(mn, width):
    k = jnp.arange(_NE, dtype=jnp.float32)

    def enc(f):
        u = jax.lax.bitcast_convert_type(f, jnp.uint32)
        neg = (u >> 31) == 1
        return jnp.where(neg, ~u, u | jnp.uint32(0x80000000))

    def dec(o):
        neg = (o >> 31) == 0
        u = jnp.where(neg, ~o, o & jnp.uint32(0x7FFFFFFF))
        return jax.lax.bitcast_convert_type(u, jnp.float32)

    def pred(x):
        return (x - mn) / width * jnp.float32(_NBINS) >= k

    lo = jnp.full((_NE,), enc(jnp.float32(-3.4e38)), jnp.uint32)
    hi = jnp.full((_NE,), enc(jnp.float32(3.4e38)), jnp.uint32)

    def body(_, lh):
        lo, hi = lh
        mid = lo + (hi - lo) // jnp.uint32(2)
        ok = pred(dec(mid))
        return jnp.where(ok, lo, mid + jnp.uint32(1)), jnp.where(ok, mid, hi)

    lo, hi = lax.fori_loop(0, 32, body, (lo, hi), unroll=True)
    e = dec(hi)
    return jnp.where(k < _NBINS, e, jnp.float32(jnp.inf))


def _hist_sc(x2, c_vec, m_vec, edges):
    rows, cols = x2.shape
    rch = 16
    ch = rch * cols
    nbuf = 2
    n_chunks = rows // rch // _NW
    assert rows % (rch * _NW) == 0

    mesh = plsc.VectorSubcoreMesh(
        core_axis_name="c", subcore_axis_name="s",
        num_cores=_NC, num_subcores=_NS)

    @functools.partial(
        pl.kernel,
        out_type=[
            jax.ShapeDtypeStruct((_NW, _NBINS), jnp.float32),
            jax.ShapeDtypeStruct((rows, cols), jnp.float32),
        ],
        mesh=mesh,
        compiler_params=pltpu.CompilerParams(
            use_tc_tiling_on_sc=True, needs_layout_passes=False),
        scratch_types=[
            pltpu.VMEM((nbuf, rch, cols), jnp.float32),
            pltpu.VMEM((_NBINS,), jnp.float32),
            pltpu.VMEM((_L,), jnp.float32),
            pltpu.VMEM((_L,), jnp.float32),
            pltpu.VMEM((_NE,), jnp.float32),
            pltpu.SemaphoreType.DMA,
            pltpu.SemaphoreType.DMA,
            pltpu.SemaphoreType.DMA,
            pltpu.SemaphoreType.DMA,
        ],
    )
    def k(data_hbm, c_hbm, m_hbm, e_hbm, out_hbm, pout_hbm,
          buf, hist, cv, mv, ev, sem0, sem1, osem0, osem1):
        cid = lax.axis_index("c")
        sid = lax.axis_index("s")
        wid = sid * _NC + cid
        base_row = wid * n_chunks * rch

        pltpu.sync_copy(c_hbm, cv)
        pltpu.sync_copy(m_hbm, mv)
        pltpu.sync_copy(e_hbm, ev)

        zero = jnp.zeros((_L,), jnp.float32)

        def zbody(i, _):
            hist[pl.ds(i * _L, _L)] = zero
            return 0

        lax.fori_loop(0, _NBINS // _L, zbody, 0)

        sems = (sem0, sem1)
        osems = (osem0, osem1)

        def chunk_copy(c, b):
            return pltpu.make_async_copy(
                data_hbm.at[pl.ds(base_row + c * rch, rch), :],
                buf.at[b],
                sems[b])

        def chunk_out_copy(c, b):
            return pltpu.make_async_copy(
                buf.at[b],
                pout_hbm.at[pl.ds(base_row + c * rch, rch), :],
                osems[b])

        for b in range(nbuf):
            chunk_copy(b, b).start()

        cb = cv[...]
        mb = mv[...]
        ones = jnp.full((_L,), 1.0, jnp.float32)
        ione = jnp.full((_L,), 1, jnp.int32)

        def inner_at(b):
            @plsc.parallel_loop(0, ch // _L, unroll=16)
            def _(i):
                r = i >> 7
                cc = (i & 127) * _L
                x = buf[b, r, pl.ds(cc, _L)]
                t = x * mb + cb
                kk = t.astype(jnp.int32)
                ek = plsc.load_gather(ev, [kk])
                ii = jnp.where(x < ek, kk - ione, kk)
                plsc.addupdate_scatter(hist, [ii], ones)

        def outer(c0, _):
            for b in range(nbuf):
                c = c0 * nbuf + b
                chunk_copy(c, b).wait()
                chunk_out_copy(c, b).start()
                inner_at(b)

                @pl.when(c + nbuf < n_chunks)
                def _():
                    chunk_out_copy(c, b).wait()
                    chunk_copy(c + nbuf, b).start()
            return 0

        lax.fori_loop(0, n_chunks // nbuf, outer, 0)

        for b in range(nbuf):
            chunk_out_copy(n_chunks - nbuf + b, b).wait()

        pltpu.sync_copy(hist, out_hbm.at[wid])

    return k(x2, c_vec, m_vec, edges)


def kernel(inputs):
    x2 = inputs.reshape(16384, 2048)
    mn, mx = _minmax_tc(x2)
    width = jnp.maximum(mx - mn, jnp.float32(1e-12))
    m = jnp.float32(_NBINS) / width
    c = jnp.float32(0.5) - mn * m
    m_vec = jnp.full((_L,), m, jnp.float32)
    c_vec = jnp.full((_L,), c, jnp.float32)
    edges = _exact_edges(mn, width)

    partials, passed = _hist_sc(x2, c_vec, m_vec, edges)
    hist = partials.sum(axis=0)

    n = x2.size
    cdf = jnp.cumsum(hist)
    hi_bin = jnp.sum(cdf < jnp.float32(_MAX_PERCENTILE) * n)
    lo_bin = jnp.sum(cdf < jnp.float32(1.0 - _MIN_PERCENTILE) * n)
    bin_edges = mn + width * jnp.arange(_NBINS + 1, dtype=jnp.float32) / _NBINS
    clip_max = bin_edges[jnp.minimum(hi_bin + 1, _NBINS)]
    clip_min = bin_edges[jnp.minimum(lo_bin, _NBINS)]
    scale = jnp.maximum((clip_max - clip_min) / 255.0, jnp.float32(1e-12))
    offset = jnp.round(-clip_min / scale) - 128.0
    return (passed.reshape(inputs.shape), scale, offset)

# --- scband reference (transcript-rebuilt; emitter-appended) ---
"""Pipeline reference for scband-quant-calibration-op-35656818491485 (READ-ONLY COPY).

The authoritative reference and input builder live on the scoring server;
editing this copy changes nothing except your own understanding.
"""

import jax, jax.numpy as jnp
import numpy as np

NBINS = 4096            # quant_algo_params['num_of_bins'] (HFMG)
MAX_PERCENTILE = 0.999999
MIN_PERCENTILE = 0.999999
CALIBRATED_LAYER_NAME = 'model.layers.0.self_attn.kv_cache'  # str forward arg, constant


def setup_inputs(seed: int = 0) -> dict:
    key = jax.random.key(seed)
    inputs = jax.random.normal(key, (2, 8192, 2048), dtype=jnp.float32)
    return {"inputs": inputs}


def _hfmg_calibrate(x):
    # HFMG: histogram-based min/max gathering -> int8 scale/offset (asymmetric, per-tensor)
    data = x.reshape(-1)
    n = data.shape[0]
    mn = jnp.min(data)
    mx = jnp.max(data)
    width = jnp.maximum(mx - mn, jnp.float32(1e-12))
    # bin each value: single memory-bound pass + scatter-add into NBINS counters
    idx = jnp.clip(((data - mn) / width * NBINS).astype(jnp.int32), 0, NBINS - 1)
    hist = jnp.zeros((NBINS,), dtype=jnp.float32).at[idx].add(1.0)
    cdf = jnp.cumsum(hist)
    # percentile clipping from the cumulative histogram
    hi_bin = jnp.searchsorted(cdf, jnp.float32(MAX_PERCENTILE) * n)
    lo_bin = jnp.searchsorted(cdf, jnp.float32(1.0 - MIN_PERCENTILE) * n)
    edges = mn + width * jnp.arange(NBINS + 1, dtype=jnp.float32) / NBINS
    clip_max = edges[jnp.minimum(hi_bin + 1, NBINS)]
    clip_min = edges[jnp.minimum(lo_bin, NBINS)]
    # asymmetric int8 quant params (with_offset=True)
    scale = jnp.maximum((clip_max - clip_min) / 255.0, jnp.float32(1e-12))
    offset = jnp.round(-clip_min / scale) - 128.0
    return scale, offset


def reference(inputs):
    # torch forward runs calibration under no_grad (stop_gradient) and returns inputs
    # unchanged; scale/offset are the quant_info side effect written to the record file.
    scale, offset = _hfmg_calibrate(jax.lax.stop_gradient(inputs))
    return (inputs, scale, offset)

if __name__ == "__main__":
    import jax
    _d = setup_inputs()
    print(jax.jit(kernel)(*tuple(_d.values())))

</pallas_src>

<mosaic_0001>
#map = affine_map<(d0, d1) -> (0, 0)>
#map1 = affine_map<(d0, d1) -> (0)>
module attributes {stable_mosaic.version = 14 : i64} {
  func.func @k(%arg0: i32, %arg1: i32, %arg2: memref<16384x2048xf32, #tpu.memory_space<hbm>>, %arg3: memref<16xf32, #tpu.memory_space<hbm>>, %arg4: memref<16xf32, #tpu.memory_space<hbm>>, %arg5: memref<4112xf32, #tpu.memory_space<hbm>>, %arg6: memref<32x4096xf32, #tpu.memory_space<hbm>>, %arg7: memref<16384x2048xf32, #tpu.memory_space<hbm>>, %arg8: memref<2x16x2048xf32, #tpu.memory_space<vmem>>, %arg9: memref<4096xf32, #tpu.memory_space<vmem>>, %arg10: memref<16xf32, #tpu.memory_space<vmem>>, %arg11: memref<16xf32, #tpu.memory_space<vmem>>, %arg12: memref<4112xf32, #tpu.memory_space<vmem>>, %arg13: memref<!tpu.dma_semaphore, #tpu.memory_space<semaphore_mem>>, %arg14: memref<!tpu.dma_semaphore, #tpu.memory_space<semaphore_mem>>, %arg15: memref<!tpu.dma_semaphore, #tpu.memory_space<semaphore_mem>>, %arg16: memref<!tpu.dma_semaphore, #tpu.memory_space<semaphore_mem>>) attributes {dimension_semantics = [#tpu.dimension_semantics<core_parallel>, #tpu.dimension_semantics<subcore_parallel>], iteration_bounds = array<i64: 2, 16>, scalar_prefetch = 0 : i64, scratch_operands = 9 : i64, tpu.core_type = #tpu.core_type<sc_vector_subcore>, window_params = [{transform_indices = #map}, {transform_indices = #map1}, {transform_indices = #map1}, {transform_indices = #map1}, {transform_indices = #map}, {transform_indices = #map}]} {
    %mul3A = arith.constant 2 : i32
    %mul3A_0 = arith.muli %arg1, %mul3A : i32
    %add3A = arith.addi %mul3A_0, %arg0 : i32
    %mul3A_1 = arith.constant 32 : i32
    %mul3A_2 = arith.muli %add3A, %mul3A_1 : i32
    %mul3A_3 = arith.constant 16 : i32
    %mul3A_4 = arith.muli %mul3A_2, %mul3A_3 : i32
    "tpu.region"() ({
      %run_scoped3A = tpu.sem_alloc : memref<!tpu.dma_semaphore, #tpu.memory_space<semaphore_mem>>
      tpu.enqueue_dma source(%arg3 : memref<16xf32, #tpu.memory_space<hbm>>) target(%arg10 : memref<16xf32, #tpu.memory_space<vmem>>) target_semaphore(%run_scoped3A : memref<!tpu.dma_semaphore, #tpu.memory_space<semaphore_mem>>)
      tpu.wait_dma2 semaphore(%run_scoped3A : memref<!tpu.dma_semaphore, #tpu.memory_space<semaphore_mem>>) src(%arg3 : memref<16xf32, #tpu.memory_space<hbm>>) dst(%arg10 : memref<16xf32, #tpu.memory_space<vmem>>)
      tpu.yield
    }) : () -> ()
    "tpu.region"() ({
      %run_scoped3A = tpu.sem_alloc : memref<!tpu.dma_semaphore, #tpu.memory_space<semaphore_mem>>
      tpu.enqueue_dma source(%arg4 : memref<16xf32, #tpu.memory_space<hbm>>) target(%arg11 : memref<16xf32, #tpu.memory_space<vmem>>) target_semaphore(%run_scoped3A : memref<!tpu.dma_semaphore, #tpu.memory_space<semaphore_mem>>)
      tpu.wait_dma2 semaphore(%run_scoped3A : memref<!tpu.dma_semaphore, #tpu.memory_space<semaphore_mem>>) src(%arg4 : memref<16xf32, #tpu.memory_space<hbm>>) dst(%arg11 : memref<16xf32, #tpu.memory_space<vmem>>)
      tpu.yield
    }) : () -> ()
    "tpu.region"() ({
      %run_scoped3A = tpu.sem_alloc : memref<!tpu.dma_semaphore, #tpu.memory_space<semaphore_mem>>
      tpu.enqueue_dma source(%arg5 : memref<4112xf32, #tpu.memory_space<hbm>>) target(%arg12 : memref<4112xf32, #tpu.memory_space<vmem>>) target_semaphore(%run_scoped3A : memref<!tpu.dma_semaphore, #tpu.memory_space<semaphore_mem>>)
      tpu.wait_dma2 semaphore(%run_scoped3A : memref<!tpu.dma_semaphore, #tpu.memory_space<semaphore_mem>>) src(%arg5 : memref<4112xf32, #tpu.memory_space<hbm>>) dst(%arg12 : memref<4112xf32, #tpu.memory_space<vmem>>)
      tpu.yield
    }) : () -> ()
    %broadcast_in_dim3A = arith.constant 0.000000e+00 : f32
    %broadcast_in_dim3A_5 = vector.broadcast %broadcast_in_dim3A : f32 to vector<16xf32>
    %scan3A = arith.constant 0 : i32
    %scan3A_6 = arith.constant 0 : i32
    %scan3A_7 = arith.constant 256 : i32
    %scan3A_8 = arith.addi %scan3A_6, %scan3A_7 : i32
    %scan3A_9 = arith.constant 1 : i32
    %scan3A_10 = scf.for %scan3A_84 = %scan3A_6 to %scan3A_8 step %scan3A_9 iter_args(%scan3A_85 = %scan3A) -> (i32)  : i32 {
      %mul3A_86 = arith.constant 16 : i32
      %mul3A_87 = arith.muli %scan3A_84, %mul3A_86 : i32
      %swap3A = arith.index_cast %mul3A_87 : i32 to index
      %swap3A_88 = tpu.vector_load %arg9[%swap3A] {strides = array<i32>} : memref<4096xf32, #tpu.memory_space<vmem>>, vector<16xf32>,
      tpu.vector_store %arg9[%swap3A], %broadcast_in_dim3A_5 {strides = array<i32>} : memref<4096xf32, #tpu.memory_space<vmem>>, vector<16xf32>,
      %scan3A_89 = arith.constant 0 : i32
      scf.yield %scan3A_89 : i32
    }
    %scan3A_11 = arith.constant 256 : i32
    %add3A_12 = arith.constant 0 : i32
    %add3A_13 = arith.addi %mul3A_4, %add3A_12 : i32
    %dma_start3A = arith.constant 0 : i32
    %dma_start3A_14 = arith.constant 0 : i32
    %dma_start3A_15 = arith.constant 0 : i32
    %dma_start3A_16 = tpu.memref_slice %arg8[%dma_start3A, %dma_start3A_14, %dma_start3A_15] : memref<2x16x2048xf32, #tpu.memory_space<vmem>> -> memref<1x16x2048xf32, #tpu.memory_space<vmem>>
    %dma_start3A_17 = tpu.memref_squeeze %dma_start3A_16 : memref<1x16x2048xf32, #tpu.memory_space<vmem>> -> memref<16x2048xf32, #tpu.memory_space<vmem>>
    %dma_start3A_18 = arith.constant 0 : i32
    %dma_start3A_19 = tpu.memref_slice %arg2[%add3A_13, %dma_start3A_18] : memref<16384x2048xf32, #tpu.memory_space<hbm>> -> memref<16x2048xf32, #tpu.memory_space<hbm>>
    %dma_start3A_20 = arith.constant 0 : i32
    %dma_start3A_21 = arith.constant 0 : i32
    %dma_start3A_22 = tpu.memref_slice %arg8[%dma_start3A, %dma_start3A_20, %dma_start3A_21] : memref<2x16x2048xf32, #tpu.memory_space<vmem>> -> memref<1x16x2048xf32, #tpu.memory_space<vmem>>
    %dma_start3A_23 = tpu.memref_squeeze %dma_start3A_22 : memref<1x16x2048xf32, #tpu.memory_space<vmem>> -> memref<16x2048xf32, #tpu.memory_space<vmem>>
    %dma_start3A_24 = arith.constant 0 : i32
    %dma_start3A_25 = tpu.memref_slice %arg2[%add3A_13, %dma_start3A_24] : memref<16384x2048xf32, #tpu.memory_space<hbm>> -> memref<16x2048xf32, #tpu.memory_space<hbm>>
    tpu.enqueue_dma source(%dma_start3A_25 : memref<16x2048xf32, #tpu.memory_space<hbm>>) target(%dma_start3A_23 : memref<16x2048xf32, #tpu.memory_space<vmem>>) target_semaphore(%arg13 : memref<!tpu.dma_semaphore, #tpu.memory_space<semaphore_mem>>)
    %add3A_26 = arith.constant 16 : i32
    %add3A_27 = arith.addi %mul3A_4, %add3A_26 : i32
    %dma_start3A_28 = arith.constant 1 : i32
    %dma_start3A_29 = arith.constant 0 : i32
    %dma_start3A_30 = arith.constant 0 : i32
    %dma_start3A_31 = tpu.memref_slice %arg8[%dma_start3A_28, %dma_start3A_29, %dma_start3A_30] : memref<2x16x2048xf32, #tpu.memory_space<vmem>> -> memref<1x16x2048xf32, #tpu.memory_space<vmem>>
    %dma_start3A_32 = tpu.memref_squeeze %dma_start3A_31 : memref<1x16x2048xf32, #tpu.memory_space<vmem>> -> memref<16x2048xf32, #tpu.memory_space<vmem>>
    %dma_start3A_33 = arith.constant 0 : i32
    %dma_start3A_34 = tpu.memref_slice %arg2[%add3A_27, %dma_start3A_33] : memref<16384x2048xf32, #tpu.memory_space<hbm>> -> memref<16x2048xf32, #tpu.memory_space<hbm>>
    %dma_start3A_35 = arith.constant 0 : i32
    %dma_start3A_36 = arith.constant 0 : i32
    %dma_start3A_37 = tpu.memref_slice %arg8[%dma_start3A_28, %dma_start3A_35, %dma_start3A_36] : memref<2x16x2048xf32, #tpu.memory_space<vmem>> -> memref<1x16x2048xf32, #tpu.memory_space<vmem>>
    %dma_start3A_38 = tpu.memref_squeeze %dma_start3A_37 : memref<1x16x2048xf32, #tpu.memory_space<vmem>> -> memref<16x2048xf32, #tpu.memory_space<vmem>>
    %dma_start3A_39 = arith.constant 0 : i32
    %dma_start3A_40 = tpu.memref_slice %arg2[%add3A_27, %dma_start3A_39] : memref<16384x2048xf32, #tpu.memory_space<hbm>> -> memref<16x2048xf32, #tpu.memory_space<hbm>>
    tpu.enqueue_dma source(%dma_start3A_40 : memref<16x2048xf32, #tpu.memory_space<hbm>>) target(%dma_start3A_38 : memref<16x2048xf32, #tpu.memory_space<vmem>>) target_semaphore(%arg14 : memref<!tpu.dma_semaphore, #tpu.memory_space<semaphore_mem>>)
    %get3A = arith.constant 0 : index
    %get3A_41 = tpu.vector_load %arg10[%get3A] {strides = array<i32>} : memref<16xf32, #tpu.memory_space<vmem>>, vector<16xf32>,
    %get3A_42 = arith.constant 0 : index
    %get3A_43 = tpu.vector_load %arg11[%get3A_42] {strides = array<i32>} : memref<16xf32, #tpu.memory_space<vmem>>, vector<16xf32>,
    %broadcast_in_dim3A_44 = arith.constant 1.000000e+00 : f32
    %broadcast_in_dim3A_45 = vector.broadcast %broadcast_in_dim3A_44 : f32 to vector<16xf32>
    %broadcast_in_dim3A_46 = arith.constant 1 : i32
    %broadcast_in_dim3A_47 = vector.broadcast %broadcast_in_dim3A_46 : i32 to vector<16xi32>
    %scan3A_48 = arith.constant 0 : i32
    %scan3A_49 = arith.constant 0 : i32
    %scan3A_50 = arith.constant 16 : i32
    %scan3A_51 = arith.addi %scan3A_49, %scan3A_50 : i32
    %scan3A_52 = arith.constant 1 : i32
    %scan3A_53 = scf.for %scan3A_84 = %scan3A_49 to %scan3A_51 step %scan3A_52 iter_args(%scan3A_85 = %scan3A_48) -> (i32)  : i32 {
      %mul3A_86 = arith.constant 2 : i32
      %mul3A_87 = arith.muli %scan3A_84, %mul3A_86 : i32
      %add3A_88 = arith.constant 0 : i32
      %add3A_89 = arith.addi %mul3A_87, %add3A_88 : i32
      %mul3A_90 = arith.constant 16 : i32
      %mul3A_91 = arith.muli %add3A_89, %mul3A_90 : i32
      %add3A_92 = arith.addi %mul3A_4, %mul3A_91 : i32
      %dma_wait3A_93 = arith.constant 0 : i32
      %dma_wait3A_94 = arith.constant 0 : i32
      %dma_wait3A_95 = arith.constant 0 : i32
      %dma_wait3A_96 = tpu.memref_slice %arg8[%dma_wait3A_93, %dma_wait3A_94, %dma_wait3A_95] : memref<2x16x2048xf32, #tpu.memory_space<vmem>> -> memref<1x16x2048xf32, #tpu.memory_space<vmem>>
      %dma_wait3A_97 = tpu.memref_squeeze %dma_wait3A_96 : memref<1x16x2048xf32, #tpu.memory_space<vmem>> -> memref<16x2048xf32, #tpu.memory_space<vmem>>
      %dma_wait3A_98 = arith.constant 0 : i32
      %dma_wait3A_99 = tpu.memref_slice %arg2[%add3A_92, %dma_wait3A_98] : memref<16384x2048xf32, #tpu.memory_space<hbm>> -> memref<16x2048xf32, #tpu.memory_space<hbm>>
      %dma_wait3A_100 = arith.constant 0 : i32
      %dma_wait3A_101 = arith.constant 0 : i32
      %dma_wait3A_102 = tpu.memref_slice %arg8[%dma_wait3A_93, %dma_wait3A_100, %dma_wait3A_101] : memref<2x16x2048xf32, #tpu.memory_space<vmem>> -> memref<1x16x2048xf32, #tpu.memory_space<vmem>>
      %dma_wait3A_103 = tpu.memref_squeeze %dma_wait3A_102 : memref<1x16x2048xf32, #tpu.memory_space<vmem>> -> memref<16x2048xf32, #tpu.memory_space<vmem>>
      %dma_wait3A_104 = arith.constant 0 : i32
      %dma_wait3A_105 = tpu.memref_slice %arg2[%add3A_92, %dma_wait3A_104] : memref<16384x2048xf32, #tpu.memory_space<hbm>> -> memref<16x2048xf32, #tpu.memory_space<hbm>>
      tpu.wait_dma2 semaphore(%arg13 : memref<!tpu.dma_semaphore, #tpu.memory_space<semaphore_mem>>) src(%dma_wait3A_105 : memref<16x2048xf32, #tpu.memory_space<hbm>>) dst(%dma_wait3A_103 : memref<16x2048xf32, #tpu.memory_space<vmem>>)
      %mul3A_106 = arith.constant 16 : i32
      %mul3A_107 = arith.muli %add3A_89, %mul3A_106 : i32
      %add3A_108 = arith.addi %mul3A_4, %mul3A_107 : i32
      %dma_start3A_109 = arith.constant 0 : i32
      %dma_start3A_110 = arith.constant 0 : i32
      %dma_start3A_111 = arith.constant 0 : i32
      %dma_start3A_112 = tpu.memref_slice %arg8[%dma_start3A_109, %dma_start3A_110, %dma_start3A_111] : memref<2x16x2048xf32, #tpu.memory_space<vmem>> -> memref<1x16x2048xf32, #tpu.memory_space<vmem>>
      %dma_start3A_113 = tpu.memref_squeeze %dma_start3A_112 : memref<1x16x2048xf32, #tpu.memory_space<vmem>> -> memref<16x2048xf32, #tpu.memory_space<vmem>>
      %dma_start3A_114 = arith.constant 0 : i32
      %dma_start3A_115 = tpu.memref_slice %arg7[%add3A_108, %dma_start3A_114] : memref<16384x2048xf32, #tpu.memory_space<hbm>> -> memref<16x2048xf32, #tpu.memory_space<hbm>>
      %dma_start3A_116 = arith.constant 0 : i32
      %dma_start3A_117 = tpu.memref_slice %arg7[%add3A_108, %dma_start3A_116] : memref<16384x2048xf32, #tpu.memory_space<hbm>> -> memref<16x2048xf32, #tpu.memory_space<hbm>>
      %dma_start3A_118 = arith.constant 0 : i32
      %dma_start3A_119 = arith.constant 0 : i32
      %dma_start3A_120 = tpu.memref_slice %arg8[%dma_start3A_109, %dma_start3A_118, %dma_start3A_119] : memref<2x16x2048xf32, #tpu.memory_space<vmem>> -> memref<1x16x2048xf32, #tpu.memory_space<vmem>>
      %dma_start3A_121 = tpu.memref_squeeze %dma_start3A_120 : memref<1x16x2048xf32, #tpu.memory_space<vmem>> -> memref<16x2048xf32, #tpu.memory_space<vmem>>
      tpu.enqueue_dma source(%dma_start3A_121 : memref<16x2048xf32, #tpu.memory_space<vmem>>) target(%dma_start3A_117 : memref<16x2048xf32, #tpu.memory_space<hbm>>) target_semaphore(%arg15 : memref<!tpu.dma_semaphore, #tpu.memory_space<semaphore_mem>>)
      %parallel_loop3A = arith.constant 0 : i32
      %parallel_loop3A_122 = arith.constant 2048 : i32
      %parallel_loop3A_123 = arith.constant 1 : i32
      scf.for %parallel_loop3A_175 = %parallel_loop3A to %parallel_loop3A_122 step %parallel_loop3A_123  : i32 {
        %parallel_loop3A_176 = arith.constant 7 : i32
        %parallel_loop3A_177 = arith.shrsi %parallel_loop3A_175, %parallel_loop3A_176 : i32
        %parallel_loop3A_178 = arith.constant 127 : i32
        %parallel_loop3A_179 = arith.andi %parallel_loop3A_175, %parallel_loop3A_178 : i32
        %parallel_loop3A_180 = arith.constant 16 : i32
        %parallel_loop3A_181 = arith.muli %parallel_loop3A_179, %parallel_loop3A_180 : i32
        %parallel_loop3A_182 = arith.constant 0 : i32
        %parallel_loop3A_183 = arith.index_cast %parallel_loop3A_182 : i32 to index
        %parallel_loop3A_184 = arith.index_cast %parallel_loop3A_177 : i32 to index
        %parallel_loop3A_185 = arith.index_cast %parallel_loop3A_181 : i32 to index
        %parallel_loop3A_186 = tpu.vector_load %arg8[%parallel_loop3A_183, %parallel_loop3A_184, %parallel_loop3A_185] {strides = array<i32>} : memref<2x16x2048xf32, #tpu.memory_space<vmem>>, vector<16xf32>,
        %parallel_loop3A_187 = arith.mulf %parallel_loop3A_186, %get3A_43 : vector<16xf32>
        %parallel_loop3A_188 = arith.addf %parallel_loop3A_187, %get3A_41 : vector<16xf32>
        %parallel_loop3A_189 = arith.fptosi %parallel_loop3A_188 : vector<16xf32> to vector<16xi32>
        %parallel_loop3A_190 = tpu.vector_load_idx %arg12[%parallel_loop3A_189] : memref<4112xf32, #tpu.memory_space<vmem>>[vector<16xi32>], vector<16xf32>,
        %parallel_loop3A_191 = arith.cmpf olt, %parallel_loop3A_186, %parallel_loop3A_190 : vector<16xf32>
        %parallel_loop3A_192 = arith.subi %parallel_loop3A_189, %broadcast_in_dim3A_47 : vector<16xi32>
        %parallel_loop3A_193 = arith.select %parallel_loop3A_191, %parallel_loop3A_192, %parallel_loop3A_189 : vector<16xi1>, vector<16xi32>
        tpu.vector_store_idx %arg9[%parallel_loop3A_193], %broadcast_in_dim3A_45 {add = true} : memref<4096xf32, #tpu.memory_space<vmem>>[vector<16xi32>], vector<16xf32>,
      } {sc.loop_unroll_factor = 16 : i64, sc.parallel_access}
      %add3A_124 = arith.constant 2 : i32
      %add3A_125 = arith.addi %add3A_89, %add3A_124 : i32
      %lt3A = arith.constant 32 : i32
      %lt3A_126 = arith.cmpi slt, %add3A_125, %lt3A : i32
      %convert_element_type3A = arith.extui %lt3A_126 : i1 to i32
      %cond3A = arith.constant 0 : i32
      %cond3A_127 = arith.cmpi ne, %convert_element_type3A, %cond3A : i32
      scf.if %cond3A_127 {
        %mul3A_175 = arith.constant 16 : i32
        %mul3A_176 = arith.muli %add3A_89, %mul3A_175 : i32
        %add3A_177 = arith.addi %mul3A_4, %mul3A_176 : i32
        %dma_wait3A_178 = arith.constant 0 : i32
        %dma_wait3A_179 = arith.constant 0 : i32
        %dma_wait3A_180 = arith.constant 0 : i32
        %dma_wait3A_181 = tpu.memref_slice %arg8[%dma_wait3A_178, %dma_wait3A_179, %dma_wait3A_180] : memref<2x16x2048xf32, #tpu.memory_space<vmem>> -> memref<1x16x2048xf32, #tpu.memory_space<vmem>>
        %dma_wait3A_182 = tpu.memref_squeeze %dma_wait3A_181 : memref<1x16x2048xf32, #tpu.memory_space<vmem>> -> memref<16x2048xf32, #tpu.memory_space<vmem>>
        %dma_wait3A_183 = arith.constant 0 : i32
        %dma_wait3A_184 = tpu.memref_slice %arg7[%add3A_177, %dma_wait3A_183] : memref<16384x2048xf32, #tpu.memory_space<hbm>> -> memref<16x2048xf32, #tpu.memory_space<hbm>>
        %dma_wait3A_185 = arith.constant 0 : i32
        %dma_wait3A_186 = tpu.memref_slice %arg7[%add3A_177, %dma_wait3A_185] : memref<16384x2048xf32, #tpu.memory_space<hbm>> -> memref<16x2048xf32, #tpu.memory_space<hbm>>
        %dma_wait3A_187 = arith.constant 0 : i32
        %dma_wait3A_188 = arith.constant 0 : i32
        %dma_wait3A_189 = tpu.memref_slice %arg8[%dma_wait3A_178, %dma_wait3A_187, %dma_wait3A_188] : memref<2x16x2048xf32, #tpu.memory_space<vmem>> -> memref<1x16x2048xf32, #tpu.memory_space<vmem>>
        %dma_wait3A_190 = tpu.memref_squeeze %dma_wait3A_189 : memref<1x16x2048xf32, #tpu.memory_space<vmem>> -> memref<16x2048xf32, #tpu.memory_space<vmem>>
        tpu.wait_dma2 semaphore(%arg15 : memref<!tpu.dma_semaphore, #tpu.memory_space<semaphore_mem>>) src(%dma_wait3A_190 : memref<16x2048xf32, #tpu.memory_space<vmem>>) dst(%dma_wait3A_186 : memref<16x2048xf32, #tpu.memory_space<hbm>>)
        %add3A_191 = arith.constant 2 : i32
        %add3A_192 = arith.addi %add3A_89, %add3A_191 : i32
        %mul3A_193 = arith.constant 16 : i32
        %mul3A_194 = arith.muli %add3A_192, %mul3A_193 : i32
        %add3A_195 = arith.addi %mul3A_4, %mul3A_194 : i32
        %dma_start3A_196 = arith.constant 0 : i32
        %dma_start3A_197 = arith.constant 0 : i32
        %dma_start3A_198 = arith.constant 0 : i32
        %dma_start3A_199 = tpu.memref_slice %arg8[%dma_start3A_196, %dma_start3A_197, %dma_start3A_198] : memref<2x16x2048xf32, #tpu.memory_space<vmem>> -> memref<1x16x2048xf32, #tpu.memory_space<vmem>>
        %dma_start3A_200 = tpu.memref_squeeze %dma_start3A_199 : memref<1x16x2048xf32, #tpu.memory_space<vmem>> -> memref<16x2048xf32, #tpu.memory_space<vmem>>
        %dma_start3A_201 = arith.constant 0 : i32
        %dma_start3A_202 = tpu.memref_slice %arg2[%add3A_195, %dma_start3A_201] : memref<16384x2048xf32, #tpu.memory_space<hbm>> -> memref<16x2048xf32, #tpu.memory_space<hbm>>
        %dma_start3A_203 = arith.constant 0 : i32
        %dma_start3A_204 = arith.constant 0 : i32
        %dma_start3A_205 = tpu.memref_slice %arg8[%dma_start3A_196, %dma_start3A_203, %dma_start3A_204] : memref<2x16x2048xf32, #tpu.memory_space<vmem>> -> memref<1x16x2048xf32, #tpu.memory_space<vmem>>
        %dma_start3A_206 = tpu.memref_squeeze %dma_start3A_205 : memref<1x16x2048xf32, #tpu.memory_space<vmem>> -> memref<16x2048xf32, #tpu.memory_space<vmem>>
        %dma_start3A_207 = arith.constant 0 : i32
        %dma_start3A_208 = tpu.memref_slice %arg2[%add3A_195, %dma_start3A_207] : memref<16384x2048xf32, #tpu.memory_space<hbm>> -> memref<16x2048xf32, #tpu.memory_space<hbm>>
        tpu.enqueue_dma source(%dma_start3A_208 : memref<16x2048xf32, #tpu.memory_space<hbm>>) target(%dma_start3A_206 : memref<16x2048xf32, #tpu.memory_space<vmem>>) target_semaphore(%arg13 : memref<!tpu.dma_semaphore, #tpu.memory_space<semaphore_mem>>)
      } else {
      }
      %mul3A_128 = arith.constant 2 : i32
      %mul3A_129 = arith.muli %scan3A_84, %mul3A_128 : i32
      %add3A_130 = arith.constant 1 : i32
      %add3A_131 = arith.addi %mul3A_129, %add3A_130 : i32
      %mul3A_132 = arith.constant 16 : i32
      %mul3A_133 = arith.muli %add3A_131, %mul3A_132 : i32
      %add3A_134 = arith.addi %mul3A_4, %mul3A_133 : i32
      %dma_wait3A_135 = arith.constant 1 : i32
      %dma_wait3A_136 = arith.constant 0 : i32
      %dma_wait3A_137 = arith.constant 0 : i32
      %dma_wait3A_138 = tpu.memref_slice %arg8[%dma_wait3A_135, %dma_wait3A_136, %dma_wait3A_137] : memref<2x16x2048xf32, #tpu.memory_space<vmem>> -> memref<1x16x2048xf32, #tpu.memory_space<vmem>>
      %dma_wait3A_139 = tpu.memref_squeeze %dma_wait3A_138 : memref<1x16x2048xf32, #tpu.memory_space<vmem>> -> memref<16x2048xf32, #tpu.memory_space<vmem>>
      %dma_wait3A_140 = arith.constant 0 : i32
      %dma_wait3A_141 = tpu.memref_slice %arg2[%add3A_134, %dma_wait3A_140] : memref<16384x2048xf32, #tpu.memory_space<hbm>> -> memref<16x2048xf32, #tpu.memory_space<hbm>>
      %dma_wait3A_142 = arith.constant 0 : i32
      %dma_wait3A_143 = arith.constant 0 : i32
      %dma_wait3A_144 = tpu.memref_slice %arg8[%dma_wait3A_135, %dma_wait3A_142, %dma_wait3A_143] : memref<2x16x2048xf32, #tpu.memory_space<vmem>> -> memref<1x16x2048xf32, #tpu.memory_space<vmem>>
      %dma_wait3A_145 = tpu.memref_squeeze %dma_wait3A_144 : memref<1x16x2048xf32, #tpu.memory_space<vmem>> -> memref<16x2048xf32, #tpu.memory_space<vmem>>
      %dma_wait3A_146 = arith.constant 0 : i32
      %dma_wait3A_147 = tpu.memref_slice %arg2[%add3A_134, %dma_wait3A_146] : memref<16384x2048xf32, #tpu.memory_space<hbm>> -> memref<16x2048xf32, #tpu.memory_space<hbm>>
      tpu.wait_dma2 semaphore(%arg14 : memref<!tpu.dma_semaphore, #tpu.memory_space<semaphore_mem>>) src(%dma_wait3A_147 : memref<16x2048xf32, #tpu.memory_space<hbm>>) dst(%dma_wait3A_145 : memref<16x2048xf32, #tpu.memory_space<vmem>>)
      %mul3A_148 = arith.constant 16 : i32
      %mul3A_149 = arith.muli %add3A_131, %mul3A_148 : i32
      %add3A_150 = arith.addi %mul3A_4, %mul3A_149 : i32
      %dma_start3A_151 = arith.constant 1 : i32
      %dma_start3A_152 = arith.constant 0 : i32
      %dma_start3A_153 = arith.constant 0 : i32
      %dma_start3A_154 = tpu.memref_slice %arg8[%dma_start3A_151, %dma_start3A_152, %dma_start3A_153] : memref<2x16x2048xf32, #tpu.memory_space<vmem>> -> memref<1x16x2048xf32, #tpu.memory_space<vmem>>
      %dma_start3A_155 = tpu.memref_squeeze %dma_start3A_154 : memref<1x16x2048xf32, #tpu.memory_space<vmem>> -> memref<16x2048xf32, #tpu.memory_space<vmem>>
      %dma_start3A_156 = arith.constant 0 : i32
      %dma_start3A_157 = tpu.memref_slice %arg7[%add3A_150, %dma_start3A_156] : memref<16384x2048xf32, #tpu.memory_space<hbm>> -> memref<16x2048xf32, #tpu.memory_space<hbm>>
      %dma_start3A_158 = arith.constant 0 : i32
      %dma_start3A_159 = tpu.memref_slice %arg7[%add3A_150, %dma_start3A_158] : memref<16384x2048xf32, #tpu.memory_space<hbm>> -> memref<16x2048xf32, #tpu.memory_space<hbm>>
      %dma_start3A_160 = arith.constant 0 : i32
      %dma_start3A_161 = arith.constant 0 : i32
      %dma_start3A_162 = tpu.memref_slice %arg8[%dma_start3A_151, %dma_start3A_160, %dma_start3A_161] : memref<2x16x2048xf32, #tpu.memory_space<vmem>> -> memref<1x16x2048xf32, #tpu.memory_space<vmem>>
      %dma_start3A_163 = tpu.memref_squeeze %dma_start3A_162 : memref<1x16x2048xf32, #tpu.memory_space<vmem>> -> memref<16x2048xf32, #tpu.memory_space<vmem>>
      tpu.enqueue_dma source(%dma_start3A_163 : memref<16x2048xf32, #tpu.memory_space<vmem>>) target(%dma_start3A_159 : memref<16x2048xf32, #tpu.memory_space<hbm>>) target_semaphore(%arg16 : memref<!tpu.dma_semaphore, #tpu.memory_space<semaphore_mem>>)
      %parallel_loop3A_164 = arith.constant 0 : i32
      %parallel_loop3A_165 = arith.constant 2048 : i32
      %parallel_loop3A_166 = arith.constant 1 : i32
      scf.for %parallel_loop3A_175 = %parallel_loop3A_164 to %parallel_loop3A_165 step %parallel_loop3A_166  : i32 {
        %parallel_loop3A_176 = arith.constant 7 : i32
        %parallel_loop3A_177 = arith.shrsi %parallel_loop3A_175, %parallel_loop3A_176 : i32
        %parallel_loop3A_178 = arith.constant 127 : i32
        %parallel_loop3A_179 = arith.andi %parallel_loop3A_175, %parallel_loop3A_178 : i32
        %parallel_loop3A_180 = arith.constant 16 : i32
        %parallel_loop3A_181 = arith.muli %parallel_loop3A_179, %parallel_loop3A_180 : i32
        %parallel_loop3A_182 = arith.constant 1 : i32
        %parallel_loop3A_183 = arith.index_cast %parallel_loop3A_182 : i32 to index
        %parallel_loop3A_184 = arith.index_cast %parallel_loop3A_177 : i32 to index
        %parallel_loop3A_185 = arith.index_cast %parallel_loop3A_181 : i32 to index
        %parallel_loop3A_186 = tpu.vector_load %arg8[%parallel_loop3A_183, %parallel_loop3A_184, %parallel_loop3A_185] {strides = array<i32>} : memref<2x16x2048xf32, #tpu.memory_space<vmem>>, vector<16xf32>,
        %parallel_loop3A_187 = arith.mulf %parallel_loop3A_186, %get3A_43 : vector<16xf32>
        %parallel_loop3A_188 = arith.addf %parallel_loop3A_187, %get3A_41 : vector<16xf32>
        %parallel_loop3A_189 = arith.fptosi %parallel_loop3A_188 : vector<16xf32> to vector<16xi32>
        %parallel_loop3A_190 = tpu.vector_load_idx %arg12[%parallel_loop3A_189] : memref<4112xf32, #tpu.memory_space<vmem>>[vector<16xi32>], vector<16xf32>,
        %parallel_loop3A_191 = arith.cmpf olt, %parallel_loop3A_186, %parallel_loop3A_190 : vector<16xf32>
        %parallel_loop3A_192 = arith.subi %parallel_loop3A_189, %broadcast_in_dim3A_47 : vector<16xi32>
        %parallel_loop3A_193 = arith.select %parallel_loop3A_191, %parallel_loop3A_192, %parallel_loop3A_189 : vector<16xi1>, vector<16xi32>
        tpu.vector_store_idx %arg9[%parallel_loop3A_193], %broadcast_in_dim3A_45 {add = true} : memref<4096xf32, #tpu.memory_space<vmem>>[vector<16xi32>], vector<16xf32>,
      } {sc.loop_unroll_factor = 16 : i64, sc.parallel_access}
      %add3A_167 = arith.constant 2 : i32
      %add3A_168 = arith.addi %add3A_131, %add3A_167 : i32
      %lt3A_169 = arith.constant 32 : i32
      %lt3A_170 = arith.cmpi slt, %add3A_168, %lt3A_169 : i32
      %convert_element_type3A_171 = arith.extui %lt3A_170 : i1 to i32
      %cond3A_172 = arith.constant 0 : i32
      %cond3A_173 = arith.cmpi ne, %convert_element_type3A_171, %cond3A_172 : i32
      scf.if %cond3A_173 {
        %mul3A_175 = arith.constant 16 : i32
        %mul3A_176 = arith.muli %add3A_131, %mul3A_175 : i32
        %add3A_177 = arith.addi %mul3A_4, %mul3A_176 : i32
        %dma_wait3A_178 = arith.constant 1 : i32
        %dma_wait3A_179 = arith.constant 0 : i32
        %dma_wait3A_180 = arith.constant 0 : i32
        %dma_wait3A_181 = tpu.memref_slice %arg8[%dma_wait3A_178, %dma_wait3A_179, %dma_wait3A_180] : memref<2x16x2048xf32, #tpu.memory_space<vmem>> -> memref<1x16x2048xf32, #tpu.memory_space<vmem>>
        %dma_wait3A_182 = tpu.memref_squeeze %dma_wait3A_181 : memref<1x16x2048xf32, #tpu.memory_space<vmem>> -> memref<16x2048xf32, #tpu.memory_space<vmem>>
        %dma_wait3A_183 = arith.constant 0 : i32
        %dma_wait3A_184 = tpu.memref_slice %arg7[%add3A_177, %dma_wait3A_183] : memref<16384x2048xf32, #tpu.memory_space<hbm>> -> memref<16x2048xf32, #tpu.memory_space<hbm>>
        %dma_wait3A_185 = arith.constant 0 : i32
        %dma_wait3A_186 = tpu.memref_slice %arg7[%add3A_177, %dma_wait3A_185] : memref<16384x2048xf32, #tpu.memory_space<hbm>> -> memref<16x2048xf32, #tpu.memory_space<hbm>>
        %dma_wait3A_187 = arith.constant 0 : i32
        %dma_wait3A_188 = arith.constant 0 : i32
        %dma_wait3A_189 = tpu.memref_slice %arg8[%dma_wait3A_178, %dma_wait3A_187, %dma_wait3A_188] : memref<2x16x2048xf32, #tpu.memory_space<vmem>> -> memref<1x16x2048xf32, #tpu.memory_space<vmem>>
        %dma_wait3A_190 = tpu.memref_squeeze %dma_wait3A_189 : memref<1x16x2048xf32, #tpu.memory_space<vmem>> -> memref<16x2048xf32, #tpu.memory_space<vmem>>
        tpu.wait_dma2 semaphore(%arg16 : memref<!tpu.dma_semaphore, #tpu.memory_space<semaphore_mem>>) src(%dma_wait3A_190 : memref<16x2048xf32, #tpu.memory_space<vmem>>) dst(%dma_wait3A_186 : memref<16x2048xf32, #tpu.memory_space<hbm>>)
        %add3A_191 = arith.constant 2 : i32
        %add3A_192 = arith.addi %add3A_131, %add3A_191 : i32
        %mul3A_193 = arith.constant 16 : i32
        %mul3A_194 = arith.muli %add3A_192, %mul3A_193 : i32
        %add3A_195 = arith.addi %mul3A_4, %mul3A_194 : i32
        %dma_start3A_196 = arith.constant 1 : i32
        %dma_start3A_197 = arith.constant 0 : i32
        %dma_start3A_198 = arith.constant 0 : i32
        %dma_start3A_199 = tpu.memref_slice %arg8[%dma_start3A_196, %dma_start3A_197, %dma_start3A_198] : memref<2x16x2048xf32, #tpu.memory_space<vmem>> -> memref<1x16x2048xf32, #tpu.memory_space<vmem>>
        %dma_start3A_200 = tpu.memref_squeeze %dma_start3A_199 : memref<1x16x2048xf32, #tpu.memory_space<vmem>> -> memref<16x2048xf32, #tpu.memory_space<vmem>>
        %dma_start3A_201 = arith.constant 0 : i32
        %dma_start3A_202 = tpu.memref_slice %arg2[%add3A_195, %dma_start3A_201] : memref<16384x2048xf32, #tpu.memory_space<hbm>> -> memref<16x2048xf32, #tpu.memory_space<hbm>>
        %dma_start3A_203 = arith.constant 0 : i32
        %dma_start3A_204 = arith.constant 0 : i32
        %dma_start3A_205 = tpu.memref_slice %arg8[%dma_start3A_196, %dma_start3A_203, %dma_start3A_204] : memref<2x16x2048xf32, #tpu.memory_space<vmem>> -> memref<1x16x2048xf32, #tpu.memory_space<vmem>>
        %dma_start3A_206 = tpu.memref_squeeze %dma_start3A_205 : memref<1x16x2048xf32, #tpu.memory_space<vmem>> -> memref<16x2048xf32, #tpu.memory_space<vmem>>
        %dma_start3A_207 = arith.constant 0 : i32
        %dma_start3A_208 = tpu.memref_slice %arg2[%add3A_195, %dma_start3A_207] : memref<16384x2048xf32, #tpu.memory_space<hbm>> -> memref<16x2048xf32, #tpu.memory_space<hbm>>
        tpu.enqueue_dma source(%dma_start3A_208 : memref<16x2048xf32, #tpu.memory_space<hbm>>) target(%dma_start3A_206 : memref<16x2048xf32, #tpu.memory_space<vmem>>) target_semaphore(%arg14 : memref<!tpu.dma_semaphore, #tpu.memory_space<semaphore_mem>>)
      } else {
      }
      %scan3A_174 = arith.constant 0 : i32
      scf.yield %scan3A_174 : i32
    }
    %scan3A_54 = arith.constant 16 : i32
    %add3A_55 = arith.constant 480 : i32
    %add3A_56 = arith.addi %mul3A_4, %add3A_55 : i32
    %dma_wait3A = arith.constant 0 : i32
    %dma_wait3A_57 = arith.constant 0 : i32
    %dma_wait3A_58 = arith.constant 0 : i32
    %dma_wait3A_59 = tpu.memref_slice %arg8[%dma_wait3A, %dma_wait3A_57, %dma_wait3A_58] : memref<2x16x2048xf32, #tpu.memory_space<vmem>> -> memref<1x16x2048xf32, #tpu.memory_space<vmem>>
    %dma_wait3A_60 = tpu.memref_squeeze %dma_wait3A_59 : memref<1x16x2048xf32, #tpu.memory_space<vmem>> -> memref<16x2048xf32, #tpu.memory_space<vmem>>
    %dma_wait3A_61 = arith.constant 0 : i32
    %dma_wait3A_62 = tpu.memref_slice %arg7[%add3A_56, %dma_wait3A_61] : memref<16384x2048xf32, #tpu.memory_space<hbm>> -> memref<16x2048xf32, #tpu.memory_space<hbm>>
    %dma_wait3A_63 = arith.constant 0 : i32
    %dma_wait3A_64 = tpu.memref_slice %arg7[%add3A_56, %dma_wait3A_63] : memref<16384x2048xf32, #tpu.memory_space<hbm>> -> memref<16x2048xf32, #tpu.memory_space<hbm>>
    %dma_wait3A_65 = arith.constant 0 : i32
    %dma_wait3A_66 = arith.constant 0 : i32
    %dma_wait3A_67 = tpu.memref_slice %arg8[%dma_wait3A, %dma_wait3A_65, %dma_wait3A_66] : memref<2x16x2048xf32, #tpu.memory_space<vmem>> -> memref<1x16x2048xf32, #tpu.memory_space<vmem>>
    %dma_wait3A_68 = tpu.memref_squeeze %dma_wait3A_67 : memref<1x16x2048xf32, #tpu.memory_space<vmem>> -> memref<16x2048xf32, #tpu.memory_space<vmem>>
    tpu.wait_dma2 semaphore(%arg15 : memref<!tpu.dma_semaphore, #tpu.memory_space<semaphore_mem>>) src(%dma_wait3A_68 : memref<16x2048xf32, #tpu.memory_space<vmem>>) dst(%dma_wait3A_64 : memref<16x2048xf32, #tpu.memory_space<hbm>>)
    %add3A_69 = arith.constant 496 : i32
    %add3A_70 = arith.addi %mul3A_4, %add3A_69 : i32
    %dma_wait3A_71 = arith.constant 1 : i32
    %dma_wait3A_72 = arith.constant 0 : i32
    %dma_wait3A_73 = arith.constant 0 : i32
    %dma_wait3A_74 = tpu.memref_slice %arg8[%dma_wait3A_71, %dma_wait3A_72, %dma_wait3A_73] : memref<2x16x2048xf32, #tpu.memory_space<vmem>> -> memref<1x16x2048xf32, #tpu.memory_space<vmem>>
    %dma_wait3A_75 = tpu.memref_squeeze %dma_wait3A_74 : memref<1x16x2048xf32, #tpu.memory_space<vmem>> -> memref<16x2048xf32, #tpu.memory_space<vmem>>
    %dma_wait3A_76 = arith.constant 0 : i32
    %dma_wait3A_77 = tpu.memref_slice %arg7[%add3A_70, %dma_wait3A_76] : memref<16384x2048xf32, #tpu.memory_space<hbm>> -> memref<16x2048xf32, #tpu.memory_space<hbm>>
    %dma_wait3A_78 = arith.constant 0 : i32
    %dma_wait3A_79 = tpu.memref_slice %arg7[%add3A_70, %dma_wait3A_78] : memref<16384x2048xf32, #tpu.memory_space<hbm>> -> memref<16x2048xf32, #tpu.memory_space<hbm>>
    %dma_wait3A_80 = arith.constant 0 : i32
    %dma_wait3A_81 = arith.constant 0 : i32
    %dma_wait3A_82 = tpu.memref_slice %arg8[%dma_wait3A_71, %dma_wait3A_80, %dma_wait3A_81] : memref<2x16x2048xf32, #tpu.memory_space<vmem>> -> memref<1x16x2048xf32, #tpu.memory_space<vmem>>
    %dma_wait3A_83 = tpu.memref_squeeze %dma_wait3A_82 : memref<1x16x2048xf32, #tpu.memory_space<vmem>> -> memref<16x2048xf32, #tpu.memory_space<vmem>>
    tpu.wait_dma2 semaphore(%arg16 : memref<!tpu.dma_semaphore, #tpu.memory_space<semaphore_mem>>) src(%dma_wait3A_83 : memref<16x2048xf32, #tpu.memory_space<vmem>>) dst(%dma_wait3A_79 : memref<16x2048xf32, #tpu.memory_space<hbm>>)
    "tpu.region"() ({
      %run_scoped3A = tpu.sem_alloc : memref<!tpu.dma_semaphore, #tpu.memory_space<semaphore_mem>>
      %dma_start3A_84 = arith.constant 0 : i32
      %dma_start3A_85 = tpu.memref_slice %arg6[%add3A, %dma_start3A_84] : memref<32x4096xf32, #tpu.memory_space<hbm>> -> memref<1x4096xf32, #tpu.memory_space<hbm>>
      %dma_start3A_86 = tpu.memref_squeeze %dma_start3A_85 : memref<1x4096xf32, #tpu.memory_space<hbm>> -> memref<4096xf32, #tpu.memory_space<hbm>>
      %dma_start3A_87 = arith.constant 0 : i32
      %dma_start3A_88 = tpu.memref_slice %arg6[%add3A, %dma_start3A_87] : memref<32x4096xf32, #tpu.memory_space<hbm>> -> memref<1x4096xf32, #tpu.memory_space<hbm>>
      %dma_start3A_89 = tpu.memref_squeeze %dma_start3A_88 : memref<1x4096xf32, #tpu.memory_space<hbm>> -> memref<4096xf32, #tpu.memory_space<hbm>>
      tpu.enqueue_dma source(%arg9 : memref<4096xf32, #tpu.memory_space<vmem>>) target(%dma_start3A_89 : memref<4096xf32, #tpu.memory_space<hbm>>) target_semaphore(%run_scoped3A : memref<!tpu.dma_semaphore, #tpu.memory_space<semaphore_mem>>)
      %dma_wait3A_90 = arith.constant 0 : i32
      %dma_wait3A_91 = tpu.memref_slice %arg6[%add3A, %dma_wait3A_90] : memref<32x4096xf32, #tpu.memory_space<hbm>> -> memref<1x4096xf32, #tpu.memory_space<hbm>>
      %dma_wait3A_92 = tpu.memref_squeeze %dma_wait3A_91 : memref<1x4096xf32, #tpu.memory_space<hbm>> -> memref<4096xf32, #tpu.memory_space<hbm>>
      %dma_wait3A_93 = arith.constant 0 : i32
      %dma_wait3A_94 = tpu.memref_slice %arg6[%add3A, %dma_wait3A_93] : memref<32x4096xf32, #tpu.memory_space<hbm>> -> memref<1x4096xf32, #tpu.memory_space<hbm>>
      %dma_wait3A_95 = tpu.memref_squeeze %dma_wait3A_94 : memref<1x4096xf32, #tpu.memory_space<hbm>> -> memref<4096xf32, #tpu.memory_space<hbm>>
      tpu.wait_dma2 semaphore(%run_scoped3A : memref<!tpu.dma_semaphore, #tpu.memory_space<semaphore_mem>>) src(%arg9 : memref<4096xf32, #tpu.memory_space<vmem>>) dst(%dma_wait3A_95 : memref<4096xf32, #tpu.memory_space<hbm>>)
      tpu.yield
    }) : () -> ()
    return
  }
}

module attributes {stable_mosaic.version = 14 : i64} {
  func.func @_mm_body(%arg0: i32, %arg1: memref<1024x2048xf32, #tpu.memory_space<vmem>>, %arg2: memref<1x1xf32, #tpu.memory_space<smem>>, %arg3: memref<1x1xf32, #tpu.memory_space<smem>>) attributes {dimension_semantics = [#tpu.dimension_semantics<arbitrary>], iteration_bounds = array<i64: 16>, scalar_prefetch = 0 : i64, scratch_operands = 0 : i64, tpu.core_type = #tpu.core_type<tc>, window_params = [{transform_indices = @transform_0, window_bounds = array<i64: 1024, 2048>}, {transform_indices = @transform_1, window_bounds = array<i64: 1, 1>}, {transform_indices = @transform_2, window_bounds = array<i64: 1, 1>}]} {
    %get3A = arith.constant 0 : index
    %get3A_0 = arith.constant 0 : index
    %get3A_1 = vector.load %arg1[%get3A, %get3A_0] : memref<1024x2048xf32, #tpu.memory_space<vmem>>, vector<1024x2048xf32>
    %reduce_min3A = arith.constant dense<0x7F800000> : vector<1024xf32>
    %reduce_min3A_2 = vector.multi_reduction <minimumf>, %get3A_1, %reduce_min3A [1] : vector<1024x2048xf32> to vector<1024xf32>
    %reduce_min3A_3 = vector.shape_cast %reduce_min3A_2 : vector<1024xf32> to vector<1x1024xf32>
    %reduce_min3A_4 = arith.constant dense<0x7F800000> : vector<1xf32>
    %reduce_min3A_5 = vector.multi_reduction <minimumf>, %reduce_min3A_3, %reduce_min3A_4 [1] : vector<1x1024xf32> to vector<1xf32>
    %reduce_min3A_6 = vector.shape_cast %reduce_min3A_5 : vector<1xf32> to vector<1x1xf32>
    %reduce_min3A_7 = vector.extract %reduce_min3A_6[0, 0] : f32 from vector<1x1xf32>
    %reduce_max3A = arith.constant dense<0xFF800000> : vector<1024xf32>
    %reduce_max3A_8 = vector.multi_reduction <maximumf>, %get3A_1, %reduce_max3A [1] : vector<1024x2048xf32> to vector<1024xf32>
    %reduce_max3A_9 = vector.shape_cast %reduce_max3A_8 : vector<1024xf32> to vector<1x1024xf32>
    %reduce_max3A_10 = arith.constant dense<0xFF800000> : vector<1xf32>
    %reduce_max3A_11 = vector.multi_reduction <maximumf>, %reduce_max3A_9, %reduce_max3A_10 [1] : vector<1x1024xf32> to vector<1xf32>
    %reduce_max3A_12 = vector.shape_cast %reduce_max3A_11 : vector<1xf32> to vector<1x1xf32>
    %reduce_max3A_13 = vector.extract %reduce_max3A_12[0, 0] : f32 from vector<1x1xf32>
    %eq3A = arith.constant 0 : i32
    %eq3A_14 = arith.cmpi eq, %arg0, %eq3A : i32
    %convert_element_type3A = arith.extui %eq3A_14 : i1 to i32
    %cond3A = arith.constant 0 : i32
    %cond3A_15 = arith.cmpi ne, %convert_element_type3A, %cond3A : i32
    scf.if %cond3A_15 {
      %swap3A = arith.constant 0 : index
      %swap3A_20 = arith.constant 0 : index
      %swap3A_21 = memref.load %arg2[%swap3A, %swap3A_20] : memref<1x1xf32, #tpu.memory_space<smem>>
      memref.store %reduce_min3A_7, %arg2[%swap3A, %swap3A_20] : memref<1x1xf32, #tpu.memory_space<smem>>
      %swap3A_22 = arith.constant 0 : index
      %swap3A_23 = arith.constant 0 : index
      %swap3A_24 = memref.load %arg3[%swap3A_22, %swap3A_23] : memref<1x1xf32, #tpu.memory_space<smem>>
      memref.store %reduce_max3A_13, %arg3[%swap3A_22, %swap3A_23] : memref<1x1xf32, #tpu.memory_space<smem>>
    } else {
    }
    %ne3A = arith.constant 0 : i32
    %ne3A_16 = arith.cmpi ne, %arg0, %ne3A : i32
    %convert_element_type3A_17 = arith.extui %ne3A_16 : i1 to i32
    %cond3A_18 = arith.constant 0 : i32
    %cond3A_19 = arith.cmpi ne, %convert_element_type3A_17, %cond3A_18 : i32
    scf.if %cond3A_19 {
      %get3A_20 = arith.constant 0 : index
      %get3A_21 = arith.constant 0 : index
      %get3A_22 = memref.load %arg2[%get3A_20, %get3A_21] : memref<1x1xf32, #tpu.memory_space<smem>>
      %min3A = arith.minimumf %get3A_22, %reduce_min3A_7 : f32
      %swap3A = arith.constant 0 : index
      %swap3A_23 = arith.constant 0 : index
      %swap3A_24 = memref.load %arg2[%swap3A, %swap3A_23] : memref<1x1xf32, #tpu.memory_space<smem>>
      memref.store %min3A, %arg2[%swap3A, %swap3A_23] : memref<1x1xf32, #tpu.memory_space<smem>>
      %get3A_25 = arith.constant 0 : index
      %get3A_26 = arith.constant 0 : index
      %get3A_27 = memref.load %arg3[%get3A_25, %get3A_26] : memref<1x1xf32, #tpu.memory_space<smem>>
      %max3A = arith.maximumf %get3A_27, %reduce_max3A_13 : f32
      %swap3A_28 = arith.constant 0 : index
      %swap3A_29 = arith.constant 0 : index
      %swap3A_30 = memref.load %arg3[%swap3A_28, %swap3A_29] : memref<1x1xf32, #tpu.memory_space<smem>>
      memref.store %max3A, %arg3[%swap3A_28, %swap3A_29] : memref<1x1xf32, #tpu.memory_space<smem>>
    } else {
    }
    return
  }
  func.func @transform_0(%arg0: i32) -> (i32, i32) {
    %c0_i32 = arith.constant 0 : i32
    %c0_i32_0 = arith.constant 0 : i32
    return %arg0, %c0_i32 : i32, i32
  }
  func.func @transform_1(%arg0: i32) -> (i32, i32) {
    %c0_i32 = arith.constant 0 : i32
    %c0_i32_0 = arith.constant 0 : i32
    %c0_i32_1 = arith.constant 0 : i32
    return %c0_i32, %c0_i32_0 : i32, i32
  }
  func.func @transform_2(%arg0: i32) -> (i32, i32) {
    %c0_i32 = arith.constant 0 : i32
    %c0_i32_0 = arith.constant 0 : i32
    %c0_i32_1 = arith.constant 0 : i32
    return %c0_i32, %c0_i32_0 : i32, i32
  }
}

</mosaic_0001>

<sc_bundles>
// kernel: kernel.4.cloned.1.call-start
scs
__scs_entry_jumppad:
0x0: {  	(pc) =	sbr.rel $0x88, $3  }
0x1: {  	(tag) =	ssettag $0x0;
	lr =	simm.s32 $0x1  }
0x2: {  	[smem:$0x3FA0] =	sst lr;
	_ =	strace $0xD0000000  }
0x3: {  	_ = 	snop  }
0x4: {  	_ = 	snop  }
0x5: {  	_ = 	snop  }
0x6: {  	_ = 	snop  }
0x7: {  	_ = 	snop  }
__scs_overlays_trampoline_lowered:
0x8: {  	[smem:$0x3FAF] =	sst s0  }
0x9: {  	[smem:$0x3FB0] =	sst s1  }
0xa: {  	[smem:$0x3FB1] =	sst s2  }
0xb: {  	[smem:$0x3FB2] =	sst s3  }
0xc: {  	[smem:$0x3FB3] =	sst s4  }
0xd: {  	[smem:$0x3FB4] =	sst s5  }
0xe: {  	[smem:$0x3FB5] =	sst s6  }
0xf: {  	[smem:$0x3FB6] =	sst s7  }
0x10: {  	[smem:$0x3FB7] =	sst s8  }
0x11: {  	[smem:$0x3FB8] =	sst s9;
	s0 =	simm.s32 @!p0 $0x0  }
0x12: {  	s1 =	sld [smem:$0x3F9E];
	s0 =	simm.s32 @p0 $0x1  }
0x13: {  	[smem:$0x3FB9] =	sst s0;
	s0 =	simm.s32 @!p1 $0x0  }
0x14: {  	s2 =	sld [smem:$0x3F9D];
	s0 =	simm.s32 @p1 $0x1  }
0x15: {  	[smem:$0x3FBA] =	sst s0;
	s0 =	simm.s32 @!p2 $0x0  }
0x16: {  	s3 =	sld [smem:$0x3FDB];
	s0 =	simm.s32 @p2 $0x1  }
0x17: {  	s4 =	simm.s32 $0x1BF5;
	[smem:$0x3FBC] =	sst s0  }
0x18: {  	s0 =	sld [smem:$0x3F9F];
	_ =	swait.ge [sflag:s4], $0x0  }
0x19: {  	s7 =	sld [smem:$0x3FA0]  }
0x1a: {  	s8 =	sadd.s32 $0xFFFFE003, lr  }
0x1b: {  	s9 =	sadd.s32 $0xFFFFFEF7, lr;
	s5 =	simm.s32 $0xFFFFFFFF;
	p2 =	slt.u32 s8, $0xFFFFF086  }
0x1c: {  	p1 =	slt.u32 s9, $0xF7A;
	s5 =	simm.s32 @!p2 $0x0  }
0x1d: {  	s5 =	simm.s32 @p1 $0x1;
	p0 =	seq.s32 s7, s2  }
0x1e: {  	s7 =	smul.u32 @!p0 $0xF7A, s2;
	p2 =	seq.s32 @!p0 s5, $0x0  }
0x1f: {  	s9 =	smul.u32 $0xF7A, s1;
	s8 =	simm.s32 @!p0 $0x1BF5;
	p2 =	por !p2, p0  }
0x20: {  	[sflag:s8] =	ssyncset.s32 @!p0 $0xFFFFF086;
	s6 =	sadd.s32 @!p0 s3, s7;
	s7 =	simm.s32 @!p0 $0x108  }
0x21: {  	s3 =	sadd.s32 s3, s9;
	s6 =	sadd.s32 @!p0 $0x88, s6;
	s7 =	simm.s32 @p2 $0x1082  }
0x22: {  	[simem:s7], [sflag:s8] =	dma.local @!p0 [hbm:s6], $0xF7A  }
0x23: {  	s9 =	sor.u32 $0xD0000000, s2;
	s6 =	simm.s32 $0x108;
	_ =	swait.ge @!p0 [sflag:s8], $0x0  }
0x24: {  	s3 =	sadd.s32 $0x88, s3;
	s6 =	simm.s32 @!p1 $0x1082;
	[sflag:s4] =	ssyncset.s32 $0xFFFFF086  }
0x25: {  	[simem:s6], [sflag:s4] =	dma.local [hbm:s3], $0xF7A  }
0x26: {  	[smem:$0x3FA0] =	sst s1;
	(tag) =	ssettag s2;
	_ =	strace s9  }
0x27: {  	s1 =	sld [smem:$0x3FB0]  }
0x28: {  	s2 =	sld [smem:$0x3FB1]  }
0x29: {  	s4 =	sld [smem:$0x3FB3]  }
0x2a: {  	p0 =	seq.s32 s5, $0x0;
	s5 =	sld [smem:$0x3FB4]  }
0x2b: {  	s6 =	sld [smem:$0x3FB5]  }
0x2c: {  	s7 =	sld [smem:$0x3FB6]  }
0x2d: {  	s3 =	simm.s32 $0x108;
	s8 =	sld [smem:$0x3FB7]  }
0x2e: {  	s3 =	simm.s32 @!p0 $0x1082;
	s9 =	sld [smem:$0x3FB8]  }
0x2f: {  	lr =	sadd.s32 s0, s3;
	s0 =	sld [smem:$0x3FAF]  }
0x30: {  	s3 =	sld [smem:$0x3FB2]  }
0x31: {  	[smem:$0x3FBB] =	sst s10  }
0x32: {  	s10 =	sld [smem:$0x3FB9];
	_ =	sdelay $0x3  }
0x33: {  	p0 =	seq.s32 s10, $0x1;
	s10 =	sld [smem:$0x3FBB];
	_ =	sdelay $0x3  }
0x34: {  	[smem:$0x3FBB] =	sst s10  }
0x35: {  	s10 =	sld [smem:$0x3FBA];
	_ =	sdelay $0x3  }
0x36: {  	p1 =	seq.s32 s10, $0x1;
	s10 =	sld [smem:$0x3FBB];
	_ =	sdelay $0x3  }
0x37: {  	[smem:$0x3FBB] =	sst s10  }
0x38: {  	s10 =	sld [smem:$0x3FBC]  }
0x39: {  	_ = 	snop;
	(pc) =	sbr.ind lr, $3  }
0x3a: {  	_ = 	snop  }
0x3b: {  	_ = 	snop  }
0x3c: {  	p2 =	seq.s32 s10, $0x1;
	s10 =	sld [smem:$0x3FBB]  }
0x3d: {  	_ =	shalt  }
0x3e: {  	_ =	shalt  }
0x3f: {  	_ =	shalt  }
0x40: {  	_ =	shalt  }
0x41: {  	_ =	shalt  }
0x42: {  	_ =	shalt  }
0x43: {  	_ =	shalt  }
0x44: {  	_ =	shalt  }
0x45: {  	_ =	shalt  }
0x46: {  	_ =	shalt  }
0x47: {  	_ =	shalt  }
0x48: {  	_ =	shalt  }
0x49: {  	_ =	shalt  }
0x4a: {  	_ =	shalt  }
0x4b: {  	_ =	shalt  }
0x4c: {  	_ =	shalt  }
0x4d: {  	_ =	shalt  }
0x4e: {  	_ =	shalt  }
0x4f: {  	_ =	shalt  }
0x50: {  	_ =	shalt  }
0x51: {  	_ =	shalt  }
0x52: {  	_ =	shalt  }
0x53: {  	_ =	shalt  }
0x54: {  	_ =	shalt  }
0x55: {  	_ =	shalt  }
0x56: {  	_ =	shalt  }
0x57: {  	_ =	shalt  }
0x58: {  	_ =	shalt  }
0x59: {  	_ =	shalt  }
0x5a: {  	_ =	shalt  }
0x5b: {  	_ =	shalt  }
0x5c: {  	_ =	shalt  }
0x5d: {  	_ =	shalt  }
0x5e: {  	_ =	shalt  }
0x5f: {  	_ =	shalt  }
0x60: {  	_ =	shalt  }
0x61: {  	_ =	shalt  }
0x62: {  	_ =	shalt  }
0x63: {  	_ =	shalt  }
0x64: {  	_ =	shalt  }
0x65: {  	_ =	shalt  }
0x66: {  	_ =	shalt  }
0x67: {  	_ =	shalt  }
0x68: {  	_ =	shalt  }
0x69: {  	_ =	shalt  }
0x6a: {  	_ =	shalt  }
0x6b: {  	_ =	shalt  }
0x6c: {  	_ =	shalt  }
0x6d: {  	_ =	shalt  }
0x6e: {  	_ =	shalt  }
0x6f: {  	_ =	shalt  }
0x70: {  	_ =	shalt  }
0x71: {  	_ =	shalt  }
0x72: {  	_ =	shalt  }
0x73: {  	_ =	shalt  }
0x74: {  	_ =	shalt  }
0x75: {  	_ =	shalt  }
0x76: {  	_ =	shalt  }
0x77: {  	_ =	shalt  }
0x78: {  	_ =	shalt  }
0x79: {  	_ =	shalt  }
0x7a: {  	_ =	shalt  }
0x7b: {  	_ =	shalt  }
0x7c: {  	_ =	shalt  }
0x7d: {  	_ =	shalt  }
0x7e: {  	_ =	shalt  }
0x7f: {  	_ =	shalt  }
0x80: {  	_ =	shalt  }
0x81: {  	_ =	shalt  }
0x82: {  	_ =	shalt  }
0x83: {  	_ =	shalt  }
0x84: {  	_ =	shalt  }
0x85: {  	_ =	shalt  }
0x86: {  	_ =	shalt  }
0x87: {  	_ =	shalt  }
.Lfunc_end0:
.L_simem_size_0:
called_computation_lowered:
.L_overlay_start_0:
0x88: {  	s2 =	sld [smem:$0x3FD9]  }
0x89: {  	s3 =	sld [smem:$0x3FFE];
	_ =	sdelay $0x1  }
0x8a: {  	s1 =	srdreg.scid  }
0x8b: {  	s0 =	sand.u32 $0x1, s1  }
0x8c: {  	s14 =	sshll.u32 s0, $0xA;
	s2 =	sadd.s32 s3, s2  }
0x8d: {  	s2 =	sadd.s32 s2, s14  }
0x8e: {  	[smem:$0x3FC7] =	sst s2  }
0x8f: {  	_ = 	snop  }
0x90: {  	s2 =	sld [smem:$0x3FD0];
	_ =	sdelay $0x2  }
0x91: {  	s4 =	simm.s32 $0xA;
	s5 =	simm.s32 $0x10;
	s15 =	sld [smem:$0x3FC9]  }
0x92: {  	[smem:s5], [sflag:s4] =	dma.local [hbm:s2], $0x1  }
0x93: {  	_ =	swait.eq [sflag:s4], $0x1  }
0x94: {  	[sflag:s4] =	ssyncset.done $0x0  }
0x95: {  	s16 =	sld [smem:$0x10];
	[sflag:s4] =	ssyncadd.s32 $0xFFFFFFFF  }
0x96: {  	s17 =	sld [smem:$0x11];
	(tm) =	ssettm $0x1  }
0x97: {  	s18 =	sld [smem:$0x3FFB];
	_ =	sdelay $0x3  }
0x98: {  	_ =	strace s18  }
0x99: {  	s5 =	sld [smem:$0x3FFC];
	_ =	sdelay $0x3  }
0x9a: {  	_ =	strace s5  }
0x9b: {  	s5 =	sld [smem:$0x3FFD];
	_ =	sdelay $0x3  }
0x9c: {  	_ =	strace s5  }
0x9d: {  	_ =	strace $0x8FFFFFFF  }
0x9e: {  	s19 =	sld [smem:$0x3FDB];
	_ =	sdelay $0x1  }
0x9f: {  	s6 =	simm.s32 $_scs_section_size  }
0xa0: {  	s7 =	simm.s32 $_size__tile_overlayer_lowered;
	s8 =	simm.s32 $_tile_overlayer_lowered  }
0xa1: {  	s22 =	simm.s32 $0x1BFF;
	s21 =	sshll.u32 s8, $0x1;
	s5 =	sadd.s32 s6, s19  }
0xa2: {  	s9 =	simm.s32 $0x0;
	s20 =	sshll.u32 s7, $0x1;
	s7 =	sadd.s32 s21, s5  }
0xa3: {  	[timem:s9], [sflag:s22] =	dma.local [hbm:s7], s20  }
0xa4: {  	_ =	swait.ge [sflag:s22], s20  }
0xa5: {  	s6 =	ssub.s32 $0x0, s20;
	[sflag:s22] =	ssyncset.done $0x0  }
0xa6: {  	[sflag:s22] =	ssyncadd.s32 s6;
	_ =	sdelay $0x1  }
0xa7: {  	s23 =	simm.s32 $0x1B8B  }
0xa8: {  	_ =	swait.ge [sflag:s23], $0x1  }
0xa9: {  	[sflag:s23] =	ssyncset.done $0x0  }
0xaa: {  	s25 =	simm.s32 $0x1B8E;
	s24 =	sld [smem:$0x3FFE];
	[sflag:s23] =	ssyncadd.s32 $0xFFFFFFFF  }
0xab: {  	s26 =	simm.s32 $execute0_lowered;
	[smem:$0x3FD2] =	sst s25  }
0xac: {  	s7 =	sshll.u32 s26, $0x1;
	_ =	strace $0x80000046;
	[dreg:$0x1] =	wrdreg $0xFFFFFFFF  }
0xad: {  	s28 =	simm.s32 $_size_execute0_lowered;
	s5 =	sadd.s32 s5, s7;
	[dreg:$0x0] =	wrdreg $0x0  }
0xae: {  	s7 =	sshll.u32 s28, $0x1;
	[dreg:$0x2] =	wrdreg s5  }
0xaf: {  	[dreg:$0x3] =	wrdreg s7  }
0xb0: {  	[dreg:$0x4] =	wrdreg $0xC0  }
0xb1: {  	_ =	task [dreg:s9], $0x5FFFF  }
0xb2: {  	[dreg:$0x1] =	wrdreg $0xFFFFFFFF  }
0xb3: {  	[dreg:$0x0] =	wrdreg $0x60  }
0xb4: {  	[dreg:$0x2] =	wrdreg s15  }
0xb5: {  	[dreg:$0x3] =	wrdreg s17  }
0xb6: {  	[dreg:$0x4] =	wrdreg s24  }
0xb7: {  	[dreg:$0x5] =	wrdreg s16  }
0xb8: {  	[dreg:$0x6] =	wrdreg $0x9  }
0xb9: {  	_ =	task.clear_ibuf [dreg:s9], $0x7FFFF;
	_ =	strace $0x90000046  }
0xba: {  	s29 =	simm.s32 $0x9;
	_ =	strace $0x80000048  }
0xbb: {  	_ =	swait.ge [sflag:s29], $0x1  }
0xbc: {  	[sflag:s29] =	ssyncadd.s32 $0xFFFFFFFF  }
0xbd: {  	_ =	strace $0x90000048  }
0xbe: {  	_ =	sfence  }
0xbf: {  	s30 =	sld [smem:$0x0];
	_ =	sdelay $0x2  }
0xc0: {  	s31 =	sshll.u32 s1, $0xD;
	s1 =	sshrl.u32 s1, $0x2  }
0xc1: {  	s3 =	sand.u32 $0x4000, s31;
	s1 =	sadd.s32 s1, s30  }
0xc2: {  	s0 =	sor.u32 s3, s0;
	s1 =	sshll.u32 s1, $0x11  }
0xc3: {  	s0 =	sor.u32 s1, s0  }
0xc4: {  	s0 =	sadd.s32 $0x8F2B, s0  }
0xc5: {  	[sflag:s0] =	ssyncadd.remote.s32 $0x1  }
0xc6: {  	_ =	sfence.sel $0xFFFF  }
0xc7: {  	[dreg:$0x0] =	wrdreg $0xFFFFFFFF;
	(pc) =	sbr.abs _section_cstart, $3  }
0xc8: {  	[dreg:$0x1] =	wrdreg $0xFFFFFFFF  }
0xc9: {  	_ =	task.clear_ibuf [dreg:s9], $0x2FFFF;
	_ =	strace $0x9FFFFFFF  }
0xca: {  	(tm) =	ssettm $0x7FFFFFFF  }
0xcb: {  	_ =	shalt  }
tec
execute0_lowered:
.L_overlay_start_1:
0x0: {  	(tag) =	ssettag $0x1  }
0x1: {  	s0 =	rddreg [dreg:$0x0]  }
0x2: {  	s2 =	rddreg [dreg:$0x2]  }
0x3: {  	s1 =	rddreg [dreg:$0x3]  }
0x4: {  	s4 =	simm.s32 $0x0;
	s7 =	stileid.u32;
	s3 =	srdreg.scid  }
0x5: {  	s14 =	simm.s32 $0x5;
	s16 =	simm.s32 $0x11100;
	s17 =	simm.s32 $0x8000  }
0x6: {  	s18 =	simm.s32 $0x1;
	s19 =	simm.s32 $0x10000;
	s20 =	simm.s32 $0x2  }
0x7: {  	s21 =	simm.s32 $0x3;
	s22 =	simm.s32 $0x4;
	s23 =	simm.s32 $0x80  }
0x8: {  	s24 =	simm.s32 $0x400;
	s25 =	simm.s32 $0x0;
	s26 =	simm.s32 $0x0  }
0x9: {  	[smem:$0x7FF] =	sst s4;
	s5 =	sadd.s32 $0x400, s2;
	s6 =	sshll.u32 s7, $0xA  }
0xa: {  	s3 =	sand.u32 $0x1, s3;
	s7 =	sshll.u32 s7, $0x1;
	_ =	strace $0x80000047  }
0xb: {  	s6 =	sand.u32 $0x3000, s6;
	s8 =	ssub.s32 $0x2, s3;
	s3 =	sor.u32 s3, s7  }
.Ltmp0:
0xc: {  	s11 =	sadd.s32 s6, s2;
	s30 =	sshrl.u32 s8, $0x1;
	(pc) =	sbr.rel .LBB2_1-.Ltmp0, $4  }
0xd: {  	s9 =	sshll.u32 s3, $0x11;
	s31 =	sshll.u32 s3, $0x4;
	s12 =	ssub.s32 s8, s30  }
0xe: {  	s6 =	sadd.s32 s0, s9;
	s8 =	sadd.s32 s1, s9;
	s0 =	sand.u32 $0x70, s31  }
0xf: {  	s7 =	sadd.s32 $0x1000, s6;
	s9 =	sadd.s32 $0x2000, s6;
	s0 =	sadd.s32 s0, s11  }
0x10: {  	v0 =	vimm.f32 $0.0e+00;
	v1 =	vimm.s32 $0x0;
	v2 =	vimm.f32 $1.000000000e+00;
	s10 =	sadd.s32 $0x3000, s6;
	s12 =	smax.u32 s12, $0x1;
	s11 =	sadd.s32 $0x600, s0  }
.LBB2_10:
0x11: {  	_ =	swait.ge [sflag:s21], $0x8000  }
0x12: {  	[sflag:s21] =	ssyncset.done $0x0  }
0x13: {  	[sflag:s21] =	ssyncadd.s32 $0xFFFF8000  }
0x14: {  	s25 =	sadd.s32 $0x1, s25;
	_ =	swait.ge [sflag:s22], $0x8000  }
0x15: {  	p0 =	sne.s32 s25, s12;
	[sflag:s22] =	ssyncset.done $0x0  }
.Ltmp1:
0x16: {  	[sflag:s22] =	ssyncadd.s32 $0xFFFF8000;
	(pc) =	sbr.rel @!p0 .LBB2_11-.Ltmp1, $4  }
0x17: {  	[hbm4b:s11+s23] =	stream.strided.scatter [tilespmem:s19], [sflag:$0x5], $0x1000, s24, s23, $0x38;
	[tilespmem:$0x12180] =	vst v63  }
0x18: {  	_ =	swait.ge [sflag:s14], $0x1000  }
0x19: {  	[sflag:s14] =	ssyncset.done $0x0  }
0x1a: {  	[sflag:s14] =	ssyncadd.s32 $0xFFFFF000  }
.LBB2_1:
0x1b: {  	s0 =	rddreg [dreg:$0x1];
	s1 =	simm.s32 $0x11000  }
0x1c: {  	[tilespmem:s1], [sflag:$0x5] =	stream.linear.gather [hbm4b:s0+s4], $0x80, $0x38;
	[tilespmem:$0x12180] =	vst v63  }
0x1d: {  	_ =	swait.ge [sflag:s14], $0x80  }
0x1e: {  	[sflag:s14] =	ssyncset.done $0x0  }
0x1f: {  	s31 =	simm.s32 $0x11080;
	[sflag:s14] =	ssyncadd.s32 $0xFFFFFF80  }
0x20: {  	[tilespmem:s31], [sflag:$0x5] =	stream.linear.gather [hbm4b:s5+s4], $0x80, $0x38;
	[tilespmem:$0x12180] =	vst v63  }
0x21: {  	_ =	swait.ge [sflag:s14], $0x80  }
0x22: {  	[sflag:s14] =	ssyncset.done $0x0  }
0x23: {  	[sflag:s14] =	ssyncadd.s32 $0xFFFFFF80  }
0x24: {  	[tilespmem:s16], [sflag:$0x5] =	stream.linear.gather [hbm4b:s2+s4], $0x1080, $0x38;
	[tilespmem:$0x12180] =	vst v63  }
0x25: {  	_ =	swait.ge [sflag:s14], $0x1080  }
0x26: {  	[sflag:s14] =	ssyncset.done $0x0  }
0x27: {  	s0 =	simm.s32 $0x40;
	s1 =	simm.s32 $0x0;
	[sflag:s14] =	ssyncadd.s32 $0xFFFFEF80  }
.LBB2_2:
0x28: {  	p0 =	sne.s32 s0, $0x3FC0;
	[tilespmem:s1+$0x10000] =	vst v0;
	s1 =	smov.u32 s0;
	s0 =	sadd.s32 $0x40, s0  }
.Ltmp2:
0x29: {  	(pc) =	sbr.rel @p0 .LBB2_2-.Ltmp2, $2  }
0x2a: {  	_ =	sdelay $0x2  }
0x2b: {  	s1 =	sshra.s32 s1, $0x2  }
0x2c: {  	[tilespmem:s1+$0x10000] =	vst v0  }
0x2d: {  	[tilespmem:s26], [sflag:$0x1] =	stream.linear.gather [hbm4b:s6+s26], $0x8000, $0x38;
	[tilespmem:$0x12180] =	vst v63  }
0x2e: {  	_ = 	snop  }
0x2f: {  	[tilespmem:s17], [sflag:$0x2] =	stream.linear.gather [hbm4b:s7+s26], $0x8000, $0x38;
	[tilespmem:$0x12180] =	vst v63  }
0x30: {  	v3 =	vld [tilespmem:$0x11000]  }
0x31: {  	s28 =	simm.s32 $0x0;
	v4 =	vld [tilespmem:$0x11080]  }
.LBB2_4:
0x32: {  	_ =	swait.ge [sflag:s18], $0x8000;
	s29 =	sshll.u32 s28, $0xD  }
0x33: {  	s31 =	simm.s32 $0x0;
	s0 =	sand.u32 $0x4000, s26;
	s1 =	sand.u32 $0x3800, s26  }
0x34: {  	[sflag:s18] =	ssyncset.done $0x0;
	s3 =	sand.u32 $0x380, s31;
	s0 =	sor.u32 s1, s0  }
0x35: {  	s30 =	sadd.s32 s29, s8;
	[sflag:s18] =	ssyncadd.s32 $0xFFFF8000;
	s0 =	sor.u32 s3, s0  }
0x36: {  	[hbm4b:s30+s26] =	stream.linear.scatter [tilespmem:s26], [sflag:$0x3], $0x8000, $0x38;
	[tilespmem:$0x12180] =	vst v63  }
0x37: {  	v9 =	vld [tilespmem:s0+$0x470]  }
0x38: {  	v14 =	vld [tilespmem:s0+$0x10]  }
0x39: {  	v15 =	vld [tilespmem:s0+$0x20]  }
0x3a: {  	v16 =	vld [tilespmem:s0+$0x30]  }
0x3b: {  	v17 =	vld [tilespmem:s0+$0x40]  }
0x3c: {  	v18 =	vld [tilespmem:s0+$0x50];
	v5 =	vmul.f32 v9, v4  }
0x3d: {  	v21 =	vld [tilespmem:s0+$0x70]  }
0x3e: {  	v33 =	vld [tilespmem:s0+$0x400];
	v6 =	vmul.f32 v14, v4;
	v5 =	vadd.f32 v5, v3  }
0x3f: {  	v20 =	vld [tilespmem:s0+$0x60];
	v7 =	vmul.f32 v15, v4;
	v12 =	vmul.f32 v16, v4  }
0x40: {  	v11 =	vld [tilespmem:s0+$0x0];
	v13 =	vmul.f32 v17, v4;
	v5 =	vtrunc.f32 v5  }
0x41: {  	v23 =	vmul.f32 v18, v4;
	v10 =	vcvt.f32.s32 v5  }
0x42: {  	v26 =	vmul.f32 v21, v4;
	v8 =	vadd.f32 v6, v3;
	v19 =	vadd.f32 v7, v3  }
0x43: {  	v28 =	vmul.f32 v33, v4;
	v12 =	vadd.f32 v12, v3;
	v13 =	vadd.f32 v13, v3  }
0x44: {  	v23 =	vadd.f32 v23, v3;
	v25 =	vtrunc.f32 v8;
	v8 =	vmul.f32 v20, v4  }
0x45: {  	v6 =	vld [tilespmem:s0+$0x410];
	v26 =	vadd.f32 v26, v3;
	v28 =	vadd.f32 v28, v3;
	v5 =	vmul.f32 v11, v4  }
0x46: {  	v19 =	vtrunc.f32 v19;
	v12 =	vtrunc.f32 v12;
	v27 =	vadd.f32 v8, v3;
	v8 =	vld [tilespmem:s0+$0x440]  }
0x47: {  	v13 =	vtrunc.f32 v13;
	v23 =	vtrunc.f32 v23;
	v5 =	vadd.f32 v5, v3;
	v24 =	vld.idx.msk [tilespmem:v10+s16+$0x0], $0xffff  }
0x48: {  	v26 =	vtrunc.f32 v26;
	v28 =	vtrunc.f32 v28  }
0x49: {  	v25 =	vcvt.f32.s32 v25;
	v22 =	vtrunc.f32 v5;
	v5 =	vld [tilespmem:s0+$0x430]  }
0x4a: {  	v34 =	vcvt.f32.s32 v19;
	v22 =	vcvt.f32.s32 v22  }
0x4b: {  	v35 =	vcvt.f32.s32 v12;
	v29 =	vmul.f32 v6, v4  }
0x4c: {  	v7 =	vld [tilespmem:s0+$0x420];
	v36 =	vcvt.f32.s32 v13;
	v32 =	vmul.f32 v8, v4;
	vm0 =	vlt.f32 v9, v24  }
0x4d: {  	v27 =	vtrunc.f32 v27;
	v19 =	vadd.f32 v29, v3;
	v30 =	vsel vm0, $0xFFFFFFFF, v1  }
0x4e: {  	v29 =	vadd.f32 v32, v3;
	v31 =	vmul.f32 v5, v4;
	v9 =	vld [tilespmem:s0+$0x450];
	v30 =	vadd.s32 v30, v10  }
0x4f: {  	v37 =	vcvt.f32.s32 v23;
	v38 =	vcvt.f32.s32 v27;
	v10 =	vld [tilespmem:s0+$0x460]  }
0x50: {  	v19 =	vtrunc.f32 v19;
	v32 =	vtrunc.f32 v29;
	v23 =	vadd.f32 v31, v3;
	v27 =	vld.idx.msk [tilespmem:v22+s16+$0x0], $0xffff  }
0x51: {  	v40 =	vld.idx.msk [tilespmem:v35+s16+$0x0], $0xffff;
	v29 =	vcvt.f32.s32 v19;
	v24 =	vmul.f32 v7, v4  }
0x52: {  	v31 =	vcvt.f32.s32 v26;
	v26 =	vld.idx.msk [tilespmem:v25+s16+$0x0], $0xffff;
	v23 =	vtrunc.f32 v23  }
0x53: {  	v13 =	vadd.f32 v24, v3;
	v19 =	vcvt.f32.s32 v23;
	v12 =	vmul.f32 v9, v4;
	[tilespmem:v30+s19+$0x0] =	vst.idx.add.f32.msk $0xffff, v2  }
0x54: {  	v24 =	vmul.f32 v10, v4;
	v30 =	vcvt.f32.s32 v28;
	v28 =	vld.idx.msk [tilespmem:v34+s16+$0x0], $0xffff  }
0x55: {  	v41 =	vld.idx.msk [tilespmem:v36+s16+$0x0], $0xffff;
	v13 =	vtrunc.f32 v13;
	vm0 =	vlt.f32 v11, v27;
	v12 =	vadd.f32 v12, v3  }
0x56: {  	v42 =	vld.idx.msk [tilespmem:v37+s16+$0x0], $0xffff;
	v23 =	vsel vm0, $0xFFFFFFFF, v1;
	v39 =	vadd.f32 v24, v3;
	v24 =	vcvt.f32.s32 v13  }
0x57: {  	v62 =	vld.idx.msk [tilespmem:v38+s16+$0x0], $0xffff;
	vm0 =	vlt.f32 v14, v26;
	v12 =	vtrunc.f32 v12;
	v13 =	vcvt.f32.s32 v32  }
0x58: {  	v63 =	vld.idx.msk [tilespmem:v31+s16+$0x0], $0xffff;
	v27 =	vadd.s32 v23, v22;
	v12 =	vcvt.f32.s32 v12;
	v39 =	vtrunc.f32 v39  }
0x59: {  	v26 =	vld.idx.msk [tilespmem:v29+s16+$0x0], $0xffff;
	v14 =	vsel vm0, $0xFFFFFFFF, v1;
	v11 =	vcvt.f32.s32 v39;
	vm0 =	vlt.f32 v15, v28  }
0x5a: {  	v28 =	vadd.s32 v14, v25;
	v43 =	vld.idx.msk [tilespmem:v30+s16+$0x0], $0xffff;
	v14 =	vsel vm0, $0xFFFFFFFF, v1;
	vm0 =	vlt.f32 v16, v40  }
0x5b: {  	v22 =	vld.idx.msk [tilespmem:v19+s16+$0x0], $0xffff;
	v25 =	vadd.s32 v14, v34;
	v14 =	vsel vm0, $0xFFFFFFFF, v1;
	vm0 =	vlt.f32 v17, v41  }
0x5c: {  	v23 =	vld.idx.msk [tilespmem:v24+s16+$0x0], $0xffff;
	v14 =	vadd.s32 v14, v35;
	v15 =	vsel vm0, $0xFFFFFFFF, v1;
	vm0 =	vlt.f32 v18, v42  }
0x5d: {  	v15 =	vadd.s32 v15, v36;
	v16 =	vsel vm0, $0xFFFFFFFF, v1;
	vm0 =	vlt.f32 v20, v62;
	v20 =	vld.idx.msk [tilespmem:v13+s16+$0x0], $0xffff  }
0x5e: {  	v16 =	vadd.s32 v16, v37;
	v17 =	vsel vm0, $0xFFFFFFFF, v1;
	vm0 =	vlt.f32 v21, v63;
	v21 =	vld.idx.msk [tilespmem:v12+s16+$0x0], $0xffff  }
0x5f: {  	s3 =	simm.s32 $0x100;
	s0 =	simm.s32 $0x800;
	v17 =	vadd.s32 v17, v38;
	v32 =	vsel vm0, $0xFFFFFFFF, v1;
	vm0 =	vlt.f32 v33, v43;
	v18 =	vld.idx.msk [tilespmem:v11+s16+$0x0], $0xffff  }
.LBB2_5:
0x60: {  	s31 =	sadd.s32 $0x10, s31;
	s1 =	sand.u32 $0x4000, s3;
	s13 =	sand.u32 $0x3800, s0;
	[tilespmem:v27+s19+$0x0] =	vst.idx.add.f32.msk $0xffff, v2;
	v31 =	vadd.s32 v32, v31;
	v27 =	vsel vm0, $0xFFFFFFFF, v1;
	vm0 =	vlt.f32 v6, v26  }
0x61: {  	s15 =	sand.u32 $0x380, s31;
	s1 =	sor.u32 s13, s1;
	p0 =	slt.u32 s31, $0x7F0;
	[tilespmem:v28+s19+$0x0] =	vst.idx.add.f32.msk $0xffff, v2;
	v30 =	vadd.s32 v27, v30;
	v6 =	vsel vm0, $0xFFFFFFFF, v1;
	vm0 =	vlt.f32 v7, v23  }
0x62: {  	s1 =	sor.u32 s15, s1;
	[tilespmem:v25+s19+$0x0] =	vst.idx.add.f32.msk $0xffff, v2;
	v29 =	vadd.s32 v6, v29;
	v6 =	vsel vm0, $0xFFFFFFFF, v1;
	vm0 =	vlt.f32 v5, v22  }
0x63: {  	v32 =	vld [tilespmem:s1+$0x470];
	v24 =	vadd.s32 v6, v24;
	v5 =	vsel vm0, $0xFFFFFFFF, v1;
	vm0 =	vlt.f32 v8, v20  }
0x64: {  	v25 =	vld [tilespmem:s1+$0x0];
	v19 =	vadd.s32 v5, v19;
	v5 =	vsel vm0, $0xFFFFFFFF, v1;
	vm0 =	vlt.f32 v9, v21  }
0x65: {  	v27 =	vld [tilespmem:s1+$0x10];
	v13 =	vadd.s32 v5, v13;
	v5 =	vsel vm0, $0xFFFFFFFF, v1;
	vm0 =	vlt.f32 v10, v18  }
0x66: {  	v28 =	vld [tilespmem:s1+$0x20];
	v12 =	vadd.s32 v5, v12;
	v5 =	vsel vm0, $0xFFFFFFFF, v1  }
0x67: {  	v26 =	vld [tilespmem:s1+$0x30];
	v11 =	vadd.s32 v5, v11  }
0x68: {  	v23 =	vld [tilespmem:s1+$0x40];
	v5 =	vmul.f32 v32, v4  }
0x69: {  	v6 =	vmul.f32 v25, v4;
	v22 =	vld [tilespmem:s1+$0x50]  }
0x6a: {  	v7 =	vmul.f32 v27, v4;
	v20 =	vld [tilespmem:s1+$0x60];
	v5 =	vadd.f32 v5, v3  }
0x6b: {  	v8 =	vadd.f32 v6, v3;
	v6 =	vmul.f32 v28, v4;
	v21 =	vld [tilespmem:s1+$0x70]  }
0x6c: {  	v9 =	vadd.f32 v7, v3;
	v7 =	vmul.f32 v26, v4;
	v18 =	vld [tilespmem:s1+$0x400];
	v5 =	vtrunc.f32 v5  }
0x6d: {  	v10 =	vadd.f32 v6, v3;
	v33 =	vmul.f32 v23, v4;
	v6 =	vld [tilespmem:s1+$0x410];
	v34 =	vcvt.f32.s32 v5  }
0x6e: {  	v35 =	vtrunc.f32 v8;
	v36 =	vadd.f32 v7, v3;
	v8 =	vmul.f32 v22, v4;
	v7 =	vld [tilespmem:s1+$0x420]  }
0x6f: {  	v37 =	vtrunc.f32 v9;
	v33 =	vadd.f32 v33, v3;
	v9 =	vmul.f32 v20, v4;
	v5 =	vld [tilespmem:s1+$0x430]  }
0x70: {  	v38 =	vtrunc.f32 v10;
	v39 =	vadd.f32 v8, v3;
	v10 =	vmul.f32 v21, v4;
	v8 =	vld [tilespmem:s1+$0x440]  }
0x71: {  	v36 =	vtrunc.f32 v36;
	v40 =	vadd.f32 v9, v3;
	v41 =	vmul.f32 v18, v4;
	v9 =	vld [tilespmem:s1+$0x450]  }
0x72: {  	v33 =	vtrunc.f32 v33;
	v42 =	vadd.f32 v10, v3;
	v43 =	vmul.f32 v6, v4;
	v10 =	vld [tilespmem:s1+$0x460]  }
0x73: {  	v39 =	vtrunc.f32 v39;
	v41 =	vadd.f32 v41, v3;
	v44 =	vmul.f32 v7, v4;
	v45 =	vld.idx.msk [tilespmem:v34+s16+$0x0], $0xffff  }
0x74: {  	v40 =	vtrunc.f32 v40;
	v43 =	vadd.f32 v43, v3;
	v46 =	vmul.f32 v5, v4;
	[tilespmem:v14+s19+$0x0] =	vst.idx.add.f32.msk $0xffff, v2  }
0x75: {  	v14 =	vtrunc.f32 v42;
	v42 =	vadd.f32 v44, v3;
	v44 =	vmul.f32 v8, v4;
	[tilespmem:v15+s19+$0x0] =	vst.idx.add.f32.msk $0xffff, v2  }
0x76: {  	v15 =	vtrunc.f32 v41;
	v41 =	vadd.f32 v46, v3;
	v46 =	vmul.f32 v9, v4;
	[tilespmem:v16+s19+$0x0] =	vst.idx.add.f32.msk $0xffff, v2  }
0x77: {  	v16 =	vtrunc.f32 v43;
	v43 =	vadd.f32 v44, v3;
	v44 =	vmul.f32 v10, v4;
	[tilespmem:v17+s19+$0x0] =	vst.idx.add.f32.msk $0xffff, v2  }
0x78: {  	v17 =	vtrunc.f32 v42;
	v41 =	vtrunc.f32 v41;
	v42 =	vadd.f32 v46, v3;
	[tilespmem:v31+s19+$0x0] =	vst.idx.add.f32.msk $0xffff, v2  }
0x79: {  	vm0 =	vlt.f32 v32, v45;
	v43 =	vtrunc.f32 v43;
	v31 =	vadd.f32 v44, v3;
	[tilespmem:v30+s19+$0x0] =	vst.idx.add.f32.msk $0xffff, v2  }
0x7a: {  	v32 =	vcvt.f32.s32 v35;
	v30 =	vsel vm0, $0xFFFFFFFF, v1;
	v35 =	vtrunc.f32 v42;
	[tilespmem:v29+s19+$0x0] =	vst.idx.add.f32.msk $0xffff, v2  }
0x7b: {  	v37 =	vcvt.f32.s32 v37;
	v34 =	vadd.s32 v30, v34;
	v42 =	vtrunc.f32 v31;
	[tilespmem:v24+s19+$0x0] =	vst.idx.add.f32.msk $0xffff, v2  }
0x7c: {  	v38 =	vcvt.f32.s32 v38;
	v36 =	vcvt.f32.s32 v36;
	[tilespmem:v19+s19+$0x0] =	vst.idx.add.f32.msk $0xffff, v2  }
0x7d: {  	v33 =	vcvt.f32.s32 v33;
	v39 =	vcvt.f32.s32 v39;
	[tilespmem:v13+s19+$0x0] =	vst.idx.add.f32.msk $0xffff, v2  }
0x7e: {  	v40 =	vcvt.f32.s32 v40;
	v31 =	vcvt.f32.s32 v14;
	[tilespmem:v12+s19+$0x0] =	vst.idx.add.f32.msk $0xffff, v2  }
0x7f: {  	v30 =	vcvt.f32.s32 v15;
	v29 =	vcvt.f32.s32 v16;
	[tilespmem:v11+s19+$0x0] =	vst.idx.add.f32.msk $0xffff, v2  }
0x80: {  	v24 =	vcvt.f32.s32 v17;
	v19 =	vcvt.f32.s32 v41;
	[tilespmem:v34+s19+$0x0] =	vst.idx.add.f32.msk $0xffff, v2  }
0x81: {  	v13 =	vcvt.f32.s32 v43;
	v12 =	vcvt.f32.s32 v35;
	v14 =	vld.idx.msk [tilespmem:v32+s16+$0x0], $0xffff  }
0x82: {  	v11 =	vcvt.f32.s32 v42;
	v15 =	vld.idx.msk [tilespmem:v37+s16+$0x0], $0xffff  }
0x83: {  	v16 =	vld.idx.msk [tilespmem:v38+s16+$0x0], $0xffff  }
0x84: {  	v17 =	vld.idx.msk [tilespmem:v36+s16+$0x0], $0xffff  }
0x85: {  	v34 =	vld.idx.msk [tilespmem:v33+s16+$0x0], $0xffff  }
0x86: {  	v35 =	vld.idx.msk [tilespmem:v39+s16+$0x0], $0xffff  }
0x87: {  	vm0 =	vlt.f32 v25, v14;
	v41 =	vld.idx.msk [tilespmem:v40+s16+$0x0], $0xffff  }
0x88: {  	v14 =	vsel vm0, $0xFFFFFFFF, v1;
	vm0 =	vlt.f32 v27, v15;
	v42 =	vld.idx.msk [tilespmem:v31+s16+$0x0], $0xffff  }
0x89: {  	v27 =	vadd.s32 v14, v32;
	v14 =	vsel vm0, $0xFFFFFFFF, v1;
	vm0 =	vlt.f32 v28, v16;
	v43 =	vld.idx.msk [tilespmem:v30+s16+$0x0], $0xffff  }
0x8a: {  	v28 =	vadd.s32 v14, v37;
	v14 =	vsel vm0, $0xFFFFFFFF, v1;
	vm0 =	vlt.f32 v26, v17;
	v26 =	vld.idx.msk [tilespmem:v29+s16+$0x0], $0xffff  }
.Ltmp3:
0x8b: {  	v25 =	vadd.s32 v14, v38;
	v14 =	vsel vm0, $0xFFFFFFFF, v1;
	vm0 =	vlt.f32 v23, v34;
	v23 =	vld.idx.msk [tilespmem:v24+s16+$0x0], $0xffff;
	(pc) =	sbr.rel @p0 .LBB2_5-.Ltmp3, $4  }
0x8c: {  	v14 =	vadd.s32 v14, v36;
	v15 =	vsel vm0, $0xFFFFFFFF, v1;
	vm0 =	vlt.f32 v22, v35;
	v22 =	vld.idx.msk [tilespmem:v19+s16+$0x0], $0xffff  }
0x8d: {  	v15 =	vadd.s32 v15, v33;
	v16 =	vsel vm0, $0xFFFFFFFF, v1;
	vm0 =	vlt.f32 v20, v41;
	v20 =	vld.idx.msk [tilespmem:v13+s16+$0x0], $0xffff  }
0x8e: {  	v16 =	vadd.s32 v16, v39;
	v17 =	vsel vm0, $0xFFFFFFFF, v1;
	vm0 =	vlt.f32 v21, v42;
	v21 =	vld.idx.msk [tilespmem:v12+s16+$0x0], $0xffff  }
0x8f: {  	s0 =	sadd.s32 $0x800, s0;
	s3 =	sadd.s32 $0x100, s3;
	v17 =	vadd.s32 v17, v40;
	v32 =	vsel vm0, $0xFFFFFFFF, v1;
	vm0 =	vlt.f32 v18, v43;
	v18 =	vld.idx.msk [tilespmem:v11+s16+$0x0], $0xffff  }
0x90: {  	_ =	sdelay $0x3  }
0x91: {  	[tilespmem:v27+s19+$0x0] =	vst.idx.add.f32.msk $0xffff, v2  }
0x92: {  	[tilespmem:v28+s19+$0x0] =	vst.idx.add.f32.msk $0xffff, v2  }
0x93: {  	v27 =	vadd.s32 v32, v31;
	v28 =	vsel vm0, $0xFFFFFFFF, v1;
	vm0 =	vlt.f32 v6, v26;
	[tilespmem:v25+s19+$0x0] =	vst.idx.add.f32.msk $0xffff, v2  }
0x94: {  	[tilespmem:v14+s19+$0x0] =	vst.idx.add.f32.msk $0xffff, v2;
	v6 =	vadd.s32 v28, v30;
	v25 =	vsel vm0, $0xFFFFFFFF, v1;
	vm0 =	vlt.f32 v7, v23  }
0x95: {  	[tilespmem:v15+s19+$0x0] =	vst.idx.add.f32.msk $0xffff, v2;
	v7 =	vadd.s32 v25, v29;
	v14 =	vsel vm0, $0xFFFFFFFF, v1;
	vm0 =	vlt.f32 v5, v22  }
0x96: {  	[tilespmem:v16+s19+$0x0] =	vst.idx.add.f32.msk $0xffff, v2;
	v5 =	vadd.s32 v14, v24;
	v14 =	vsel vm0, $0xFFFFFFFF, v1;
	vm0 =	vlt.f32 v8, v20  }
0x97: {  	[tilespmem:v17+s19+$0x0] =	vst.idx.add.f32.msk $0xffff, v2;
	v8 =	vadd.s32 v14, v19;
	v14 =	vsel vm0, $0xFFFFFFFF, v1;
	vm0 =	vlt.f32 v9, v21  }
0x98: {  	v9 =	vadd.s32 v14, v13;
	v13 =	vsel vm0, $0xFFFFFFFF, v1;
	vm0 =	vlt.f32 v10, v18;
	[tilespmem:v27+s19+$0x0] =	vst.idx.add.f32.msk $0xffff, v2  }
0x99: {  	v10 =	vadd.s32 v13, v12;
	v12 =	vsel vm0, $0xFFFFFFFF, v1;
	[tilespmem:v6+s19+$0x0] =	vst.idx.add.f32.msk $0xffff, v2  }
0x9a: {  	v6 =	vadd.s32 v12, v11;
	[tilespmem:v7+s19+$0x0] =	vst.idx.add.f32.msk $0xffff, v2  }
0x9b: {  	[tilespmem:v5+s19+$0x0] =	vst.idx.add.f32.msk $0xffff, v2  }
0x9c: {  	[tilespmem:v8+s19+$0x0] =	vst.idx.add.f32.msk $0xffff, v2  }
0x9d: {  	[tilespmem:v9+s19+$0x0] =	vst.idx.add.f32.msk $0xffff, v2  }
0x9e: {  	p0 =	seq.s32 s28, $0xF;
	[tilespmem:v10+s19+$0x0] =	vst.idx.add.f32.msk $0xffff, v2  }
0x9f: {  	s0 =	simm.s32 @!p0 $0x3;
	[tilespmem:v6+s19+$0x0] =	vst.idx.add.f32.msk $0xffff, v2  }
0xa0: {  	s13 =	sadd.s32 $0x1000, s30;
	_ =	swait.ge @!p0 [sflag:s0], $0x8000  }
0xa1: {  	s15 =	simm.s32 $0x0;
	s30 =	simm.s32 $0x0;
	[sflag:s0] =	ssyncset.done @!p0 $0x0  }
0xa2: {  	s1 =	simm.s32 @!p0 $0x0;
	[sflag:s0] =	ssyncadd.s32 @!p0 $0xFFFF8000;
	s0 =	sadd.s32 @!p0 s29, s9  }
0xa3: {  	[tilespmem:s1], [sflag:$0x1] =	stream.linear.gather @!p0 [hbm4b:s0+s1], $0x8000, $0x38;
	[tilespmem:$0x12180] =	vst v63  }
0xa4: {  	s31 =	sand.u32 $0x4000, s15;
	s1 =	sand.u32 $0x3800, s15;
	_ =	swait.ge [sflag:s20], $0x8000  }
0xa5: {  	s3 =	sand.u32 $0x380, s30;
	s0 =	sor.u32 s1, s31;
	[sflag:s20] =	ssyncset.done $0x0  }
0xa6: {  	s0 =	sor.u32 s3, s0;
	[sflag:s20] =	ssyncadd.s32 $0xFFFF8000  }
0xa7: {  	[hbm4b:s13+s15] =	stream.linear.scatter [tilespmem:s17], [sflag:$0x4], $0x8000, $0x38;
	[tilespmem:$0x12180] =	vst v63  }
0xa8: {  	v9 =	vld [tilespmem:s0+$0x8470]  }
0xa9: {  	v14 =	vld [tilespmem:s0+$0x8010]  }
0xaa: {  	v15 =	vld [tilespmem:s0+$0x8020]  }
0xab: {  	v16 =	vld [tilespmem:s0+$0x8030]  }
0xac: {  	v17 =	vld [tilespmem:s0+$0x8040]  }
0xad: {  	v18 =	vld [tilespmem:s0+$0x8050];
	v5 =	vmul.f32 v9, v4  }
0xae: {  	v21 =	vld [tilespmem:s0+$0x8070]  }
0xaf: {  	v33 =	vld [tilespmem:s0+$0x8400];
	v6 =	vmul.f32 v14, v4;
	v5 =	vadd.f32 v5, v3  }
0xb0: {  	v20 =	vld [tilespmem:s0+$0x8060];
	v7 =	vmul.f32 v15, v4;
	v12 =	vmul.f32 v16, v4  }
0xb1: {  	v11 =	vld [tilespmem:s0+$0x8000];
	v13 =	vmul.f32 v17, v4;
	v5 =	vtrunc.f32 v5  }
0xb2: {  	v23 =	vmul.f32 v18, v4;
	v10 =	vcvt.f32.s32 v5  }
0xb3: {  	v26 =	vmul.f32 v21, v4;
	v8 =	vadd.f32 v6, v3;
	v19 =	vadd.f32 v7, v3  }
0xb4: {  	v28 =	vmul.f32 v33, v4;
	v12 =	vadd.f32 v12, v3;
	v13 =	vadd.f32 v13, v3  }
0xb5: {  	v23 =	vadd.f32 v23, v3;
	v25 =	vtrunc.f32 v8;
	v8 =	vmul.f32 v20, v4  }
0xb6: {  	v6 =	vld [tilespmem:s0+$0x8410];
	v26 =	vadd.f32 v26, v3;
	v28 =	vadd.f32 v28, v3;
	v5 =	vmul.f32 v11, v4  }
0xb7: {  	v19 =	vtrunc.f32 v19;
	v12 =	vtrunc.f32 v12;
	v27 =	vadd.f32 v8, v3;
	v8 =	vld [tilespmem:s0+$0x8440]  }
0xb8: {  	v13 =	vtrunc.f32 v13;
	v23 =	vtrunc.f32 v23;
	v5 =	vadd.f32 v5, v3;
	v24 =	vld.idx.msk [tilespmem:v10+s16+$0x0], $0xffff  }
0xb9: {  	v26 =	vtrunc.f32 v26;
	v28 =	vtrunc.f32 v28  }
0xba: {  	v25 =	vcvt.f32.s32 v25;
	v22 =	vtrunc.f32 v5;
	v5 =	vld [tilespmem:s0+$0x8430]  }
0xbb: {  	v34 =	vcvt.f32.s32 v19;
	v22 =	vcvt.f32.s32 v22  }
0xbc: {  	v35 =	vcvt.f32.s32 v12;
	v29 =	vmul.f32 v6, v4  }
0xbd: {  	v7 =	vld [tilespmem:s0+$0x8420];
	v36 =	vcvt.f32.s32 v13;
	v61 =	vmul.f32 v8, v4;
	vm0 =	vlt.f32 v9, v24  }
0xbe: {  	v27 =	vtrunc.f32 v27;
	v19 =	vadd.f32 v29, v3;
	v30 =	vsel vm0, $0xFFFFFFFF, v1  }
0xbf: {  	v29 =	vadd.f32 v61, v3;
	v31 =	vmul.f32 v5, v4;
	v9 =	vld [tilespmem:s0+$0x8450];
	v30 =	vadd.s32 v30, v10  }
0xc0: {  	v37 =	vcvt.f32.s32 v23;
	v38 =	vcvt.f32.s32 v27;
	v10 =	vld [tilespmem:s0+$0x8460]  }
0xc1: {  	v19 =	vtrunc.f32 v19;
	v32 =	vtrunc.f32 v29;
	v23 =	vadd.f32 v31, v3;
	v27 =	vld.idx.msk [tilespmem:v22+s16+$0x0], $0xffff  }
0xc2: {  	v40 =	vld.idx.msk [tilespmem:v35+s16+$0x0], $0xffff;
	v29 =	vcvt.f32.s32 v19;
	v24 =	vmul.f32 v7, v4  }
0xc3: {  	v31 =	vcvt.f32.s32 v26;
	v26 =	vld.idx.msk [tilespmem:v25+s16+$0x0], $0xffff;
	v23 =	vtrunc.f32 v23  }
0xc4: {  	v13 =	vadd.f32 v24, v3;
	v19 =	vcvt.f32.s32 v23;
	v12 =	vmul.f32 v9, v4;
	[tilespmem:v30+s19+$0x0] =	vst.idx.add.f32.msk $0xffff, v2  }
0xc5: {  	v24 =	vmul.f32 v10, v4;
	v30 =	vcvt.f32.s32 v28;
	v28 =	vld.idx.msk [tilespmem:v34+s16+$0x0], $0xffff  }
0xc6: {  	v41 =	vld.idx.msk [tilespmem:v36+s16+$0x0], $0xffff;
	v13 =	vtrunc.f32 v13;
	vm0 =	vlt.f32 v11, v27;
	v12 =	vadd.f32 v12, v3  }
0xc7: {  	v42 =	vld.idx.msk [tilespmem:v37+s16+$0x0], $0xffff;
	v23 =	vsel vm0, $0xFFFFFFFF, v1;
	v39 =	vadd.f32 v24, v3;
	v24 =	vcvt.f32.s32 v13  }
0xc8: {  	v62 =	vld.idx.msk [tilespmem:v38+s16+$0x0], $0xffff;
	vm0 =	vlt.f32 v14, v26;
	v12 =	vtrunc.f32 v12;
	v13 =	vcvt.f32.s32 v32  }
0xc9: {  	v63 =	vld.idx.msk [tilespmem:v31+s16+$0x0], $0xffff;
	v27 =	vadd.s32 v23, v22;
	v12 =	vcvt.f32.s32 v12;
	v39 =	vtrunc.f32 v39  }
0xca: {  	v26 =	vld.idx.msk [tilespmem:v29+s16+$0x0], $0xffff;
	v14 =	vsel vm0, $0xFFFFFFFF, v1;
	v11 =	vcvt.f32.s32 v39;
	vm0 =	vlt.f32 v15, v28  }
0xcb: {  	v28 =	vadd.s32 v14, v25;
	v43 =	vld.idx.msk [tilespmem:v30+s16+$0x0], $0xffff;
	v14 =	vsel vm0, $0xFFFFFFFF, v1;
	vm0 =	vlt.f32 v16, v40  }
0xcc: {  	v22 =	vld.idx.msk [tilespmem:v19+s16+$0x0], $0xffff;
	v25 =	vadd.s32 v14, v34;
	v14 =	vsel vm0, $0xFFFFFFFF, v1;
	vm0 =	vlt.f32 v17, v41  }
0xcd: {  	v23 =	vld.idx.msk [tilespmem:v24+s16+$0x0], $0xffff;
	v14 =	vadd.s32 v14, v35;
	v15 =	vsel vm0, $0xFFFFFFFF, v1;
	vm0 =	vlt.f32 v18, v42  }
0xce: {  	v15 =	vadd.s32 v15, v36;
	v16 =	vsel vm0, $0xFFFFFFFF, v1;
	vm0 =	vlt.f32 v20, v62;
	v20 =	vld.idx.msk [tilespmem:v13+s16+$0x0], $0xffff  }
0xcf: {  	v16 =	vadd.s32 v16, v37;
	v17 =	vsel vm0, $0xFFFFFFFF, v1;
	vm0 =	vlt.f32 v21, v63;
	v21 =	vld.idx.msk [tilespmem:v12+s16+$0x0], $0xffff  }
0xd0: {  	s3 =	simm.s32 $0x100;
	s0 =	simm.s32 $0x800;
	v17 =	vadd.s32 v17, v38;
	v32 =	vsel vm0, $0xFFFFFFFF, v1;
	vm0 =	vlt.f32 v33, v43;
	v18 =	vld.idx.msk [tilespmem:v11+s16+$0x0], $0xffff  }
.LBB2_7:
0xd1: {  	s30 =	sadd.s32 $0x10, s30;
	s1 =	sand.u32 $0x4000, s3;
	s13 =	sand.u32 $0x3800, s0;
	[tilespmem:v27+s19+$0x0] =	vst.idx.add.f32.msk $0xffff, v2;
	v31 =	vadd.s32 v32, v31;
	v27 =	vsel vm0, $0xFFFFFFFF, v1;
	vm0 =	vlt.f32 v6, v26  }
0xd2: {  	s15 =	sand.u32 $0x380, s30;
	s1 =	sor.u32 s13, s1;
	p1 =	slt.u32 s30, $0x7F0;
	[tilespmem:v28+s19+$0x0] =	vst.idx.add.f32.msk $0xffff, v2;
	v30 =	vadd.s32 v27, v30;
	v6 =	vsel vm0, $0xFFFFFFFF, v1;
	vm0 =	vlt.f32 v7, v23  }
0xd3: {  	s1 =	sor.u32 s15, s1;
	[tilespmem:v25+s19+$0x0] =	vst.idx.add.f32.msk $0xffff, v2;
	v29 =	vadd.s32 v6, v29;
	v6 =	vsel vm0, $0xFFFFFFFF, v1;
	vm0 =	vlt.f32 v5, v22  }
0xd4: {  	v32 =	vld [tilespmem:s1+$0x8470];
	v24 =	vadd.s32 v6, v24;
	v5 =	vsel vm0, $0xFFFFFFFF, v1;
	vm0 =	vlt.f32 v8, v20  }
0xd5: {  	v25 =	vld [tilespmem:s1+$0x8000];
	v19 =	vadd.s32 v5, v19;
	v5 =	vsel vm0, $0xFFFFFFFF, v1;
	vm0 =	vlt.f32 v9, v21  }
0xd6: {  	v27 =	vld [tilespmem:s1+$0x8010];
	v13 =	vadd.s32 v5, v13;
	v5 =	vsel vm0, $0xFFFFFFFF, v1;
	vm0 =	vlt.f32 v10, v18  }
0xd7: {  	v28 =	vld [tilespmem:s1+$0x8020];
	v12 =	vadd.s32 v5, v12;
	v5 =	vsel vm0, $0xFFFFFFFF, v1  }
0xd8: {  	v26 =	vld [tilespmem:s1+$0x8030];
	v11 =	vadd.s32 v5, v11  }
0xd9: {  	v23 =	vld [tilespmem:s1+$0x8040];
	v5 =	vmul.f32 v32, v4  }
0xda: {  	v6 =	vmul.f32 v25, v4;
	v22 =	vld [tilespmem:s1+$0x8050]  }
0xdb: {  	v7 =	vmul.f32 v27, v4;
	v20 =	vld [tilespmem:s1+$0x8060];
	v5 =	vadd.f32 v5, v3  }
0xdc: {  	v8 =	vadd.f32 v6, v3;
	v6 =	vmul.f32 v28, v4;
	v21 =	vld [tilespmem:s1+$0x8070]  }
0xdd: {  	v9 =	vadd.f32 v7, v3;
	v7 =	vmul.f32 v26, v4;
	v18 =	vld [tilespmem:s1+$0x8400];
	v5 =	vtrunc.f32 v5  }
0xde: {  	v10 =	vadd.f32 v6, v3;
	v33 =	vmul.f32 v23, v4;
	v6 =	vld [tilespmem:s1+$0x8410];
	v34 =	vcvt.f32.s32 v5  }
0xdf: {  	v35 =	vtrunc.f32 v8;
	v36 =	vadd.f32 v7, v3;
	v8 =	vmul.f32 v22, v4;
	v7 =	vld [tilespmem:s1+$0x8420]  }
0xe0: {  	v37 =	vtrunc.f32 v9;
	v33 =	vadd.f32 v33, v3;
	v9 =	vmul.f32 v20, v4;
	v5 =	vld [tilespmem:s1+$0x8430]  }
0xe1: {  	v38 =	vtrunc.f32 v10;
	v39 =	vadd.f32 v8, v3;
	v10 =	vmul.f32 v21, v4;
	v8 =	vld [tilespmem:s1+$0x8440]  }
0xe2: {  	v36 =	vtrunc.f32 v36;
	v40 =	vadd.f32 v9, v3;
	v41 =	vmul.f32 v18, v4;
	v9 =	vld [tilespmem:s1+$0x8450]  }
0xe3: {  	v33 =	vtrunc.f32 v33;
	v42 =	vadd.f32 v10, v3;
	v43 =	vmul.f32 v6, v4;
	v10 =	vld [tilespmem:s1+$0x8460]  }
0xe4: {  	v39 =	vtrunc.f32 v39;
	v41 =	vadd.f32 v41, v3;
	v44 =	vmul.f32 v7, v4;
	v45 =	vld.idx.msk [tilespmem:v34+s16+$0x0], $0xffff  }
0xe5: {  	v40 =	vtrunc.f32 v40;
	v43 =	vadd.f32 v43, v3;
	v46 =	vmul.f32 v5, v4;
	[tilespmem:v14+s19+$0x0] =	vst.idx.add.f32.msk $0xffff, v2  }
0xe6: {  	v14 =	vtrunc.f32 v42;
	v42 =	vadd.f32 v44, v3;
	v44 =	vmul.f32 v8, v4;
	[tilespmem:v15+s19+$0x0] =	vst.idx.add.f32.msk $0xffff, v2  }
0xe7: {  	v15 =	vtrunc.f32 v41;
	v41 =	vadd.f32 v46, v3;
	v46 =	vmul.f32 v9, v4;
	[tilespmem:v16+s19+$0x0] =	vst.idx.add.f32.msk $0xffff, v2  }
0xe8: {  	v16 =	vtrunc.f32 v43;
	v43 =	vadd.f32 v44, v3;
	v44 =	vmul.f32 v10, v4;
	[tilespmem:v17+s19+$0x0] =	vst.idx.add.f32.msk $0xffff, v2  }
0xe9: {  	v17 =	vtrunc.f32 v42;
	v41 =	vtrunc.f32 v41;
	v42 =	vadd.f32 v46, v3;
	[tilespmem:v31+s19+$0x0] =	vst.idx.add.f32.msk $0xffff, v2  }
0xea: {  	vm0 =	vlt.f32 v32, v45;
	v43 =	vtrunc.f32 v43;
	v31 =	vadd.f32 v44, v3;
	[tilespmem:v30+s19+$0x0] =	vst.idx.add.f32.msk $0xffff, v2  }
0xeb: {  	v32 =	vcvt.f32.s32 v35;
	v30 =	vsel vm0, $0xFFFFFFFF, v1;
	v35 =	vtrunc.f32 v42;
	[tilespmem:v29+s19+$0x0] =	vst.idx.add.f32.msk $0xffff, v2  }
0xec: {  	v37 =	vcvt.f32.s32 v37;
	v34 =	vadd.s32 v30, v34;
	v42 =	vtrunc.f32 v31;
	[tilespmem:v24+s19+$0x0] =	vst.idx.add.f32.msk $0xffff, v2  }
0xed: {  	v38 =	vcvt.f32.s32 v38;
	v36 =	vcvt.f32.s32 v36;
	[tilespmem:v19+s19+$0x0] =	vst.idx.add.f32.msk $0xffff, v2  }
0xee: {  	v33 =	vcvt.f32.s32 v33;
	v39 =	vcvt.f32.s32 v39;
	[tilespmem:v13+s19+$0x0] =	vst.idx.add.f32.msk $0xffff, v2  }
0xef: {  	v40 =	vcvt.f32.s32 v40;
	v31 =	vcvt.f32.s32 v14;
	[tilespmem:v12+s19+$0x0] =	vst.idx.add.f32.msk $0xffff, v2  }
0xf0: {  	v30 =	vcvt.f32.s32 v15;
	v29 =	vcvt.f32.s32 v16;
	[tilespmem:v11+s19+$0x0] =	vst.idx.add.f32.msk $0xffff, v2  }
0xf1: {  	v24 =	vcvt.f32.s32 v17;
	v19 =	vcvt.f32.s32 v41;
	[tilespmem:v34+s19+$0x0] =	vst.idx.add.f32.msk $0xffff, v2  }
0xf2: {  	v13 =	vcvt.f32.s32 v43;
	v12 =	vcvt.f32.s32 v35;
	v14 =	vld.idx.msk [tilespmem:v32+s16+$0x0], $0xffff  }
0xf3: {  	v11 =	vcvt.f32.s32 v42;
	v15 =	vld.idx.msk [tilespmem:v37+s16+$0x0], $0xffff  }
0xf4: {  	v16 =	vld.idx.msk [tilespmem:v38+s16+$0x0], $0xffff  }
0xf5: {  	v17 =	vld.idx.msk [tilespmem:v36+s16+$0x0], $0xffff  }
0xf6: {  	v34 =	vld.idx.msk [tilespmem:v33+s16+$0x0], $0xffff  }
0xf7: {  	v35 =	vld.idx.msk [tilespmem:v39+s16+$0x0], $0xffff  }
0xf8: {  	vm0 =	vlt.f32 v25, v14;
	v41 =	vld.idx.msk [tilespmem:v40+s16+$0x0], $0xffff  }
0xf9: {  	v14 =	vsel vm0, $0xFFFFFFFF, v1;
	vm0 =	vlt.f32 v27, v15;
	v42 =	vld.idx.msk [tilespmem:v31+s16+$0x0], $0xffff  }
0xfa: {  	v27 =	vadd.s32 v14, v32;
	v14 =	vsel vm0, $0xFFFFFFFF, v1;
	vm0 =	vlt.f32 v28, v16;
	v43 =	vld.idx.msk [tilespmem:v30+s16+$0x0], $0xffff  }
0xfb: {  	v28 =	vadd.s32 v14, v37;
	v14 =	vsel vm0, $0xFFFFFFFF, v1;
	vm0 =	vlt.f32 v26, v17;
	v26 =	vld.idx.msk [tilespmem:v29+s16+$0x0], $0xffff  }
.Ltmp4:
0xfc: {  	v25 =	vadd.s32 v14, v38;
	v14 =	vsel vm0, $0xFFFFFFFF, v1;
	vm0 =	vlt.f32 v23, v34;
	v23 =	vld.idx.msk [tilespmem:v24+s16+$0x0], $0xffff;
	(pc) =	sbr.rel @p1 .LBB2_7-.Ltmp4, $4  }
0xfd: {  	v14 =	vadd.s32 v14, v36;
	v15 =	vsel vm0, $0xFFFFFFFF, v1;
	vm0 =	vlt.f32 v22, v35;
	v22 =	vld.idx.msk [tilespmem:v19+s16+$0x0], $0xffff  }
0xfe: {  	v15 =	vadd.s32 v15, v33;
	v16 =	vsel vm0, $0xFFFFFFFF, v1;
	vm0 =	vlt.f32 v20, v41;
	v20 =	vld.idx.msk [tilespmem:v13+s16+$0x0], $0xffff  }
0xff: {  	v16 =	vadd.s32 v16, v39;
	v17 =	vsel vm0, $0xFFFFFFFF, v1;
	vm0 =	vlt.f32 v21, v42;
	v21 =	vld.idx.msk [tilespmem:v12+s16+$0x0], $0xffff  }
0x100: {  	s0 =	sadd.s32 $0x800, s0;
	s3 =	sadd.s32 $0x100, s3;
	v17 =	vadd.s32 v17, v40;
	v32 =	vsel vm0, $0xFFFFFFFF, v1;
	vm0 =	vlt.f32 v18, v43;
	v18 =	vld.idx.msk [tilespmem:v11+s16+$0x0], $0xffff  }
0x101: {  	_ =	sdelay $0x3  }
0x102: {  	[tilespmem:v27+s19+$0x0] =	vst.idx.add.f32.msk $0xffff, v2  }
0x103: {  	[tilespmem:v28+s19+$0x0] =	vst.idx.add.f32.msk $0xffff, v2  }
0x104: {  	v53 =	vadd.s32 v32, v31;
	v54 =	vsel vm0, $0xFFFFFFFF, v1;
	vm10 =	vlt.f32 v6, v26;
	[tilespmem:v25+s19+$0x0] =	vst.idx.add.f32.msk $0xffff, v2  }
0x105: {  	vm11 =	vlt.f32 v7, v23;
	[tilespmem:v14+s19+$0x0] =	vst.idx.add.f32.msk $0xffff, v2;
	v6 =	vadd.s32 v54, v30;
	v55 =	vsel vm10, $0xFFFFFFFF, v1  }
0x106: {  	[tilespmem:v15+s19+$0x0] =	vst.idx.add.f32.msk $0xffff, v2;
	v56 =	vsel vm11, $0xFFFFFFFF, v1;
	vm12 =	vlt.f32 v5, v22;
	v7 =	vadd.s32 v55, v29  }
0x107: {  	[tilespmem:v16+s19+$0x0] =	vst.idx.add.f32.msk $0xffff, v2;
	v5 =	vadd.s32 v56, v24;
	v57 =	vsel vm12, $0xFFFFFFFF, v1;
	vm13 =	vlt.f32 v8, v20  }
0x108: {  	[tilespmem:v17+s19+$0x0] =	vst.idx.add.f32.msk $0xffff, v2;
	v58 =	vadd.s32 v57, v19;
	v59 =	vsel vm13, $0xFFFFFFFF, v1;
	vm14 =	vlt.f32 v9, v21  }
0x109: {  	v60 =	vadd.s32 v59, v13;
	v61 =	vsel vm14, $0xFFFFFFFF, v1;
	vm15 =	vlt.f32 v10, v18;
	[tilespmem:v53+s19+$0x0] =	vst.idx.add.f32.msk $0xffff, v2  }
0x10a: {  	v62 =	vadd.s32 v61, v12;
	v63 =	vsel vm15, $0xFFFFFFFF, v1;
	[tilespmem:v6+s19+$0x0] =	vst.idx.add.f32.msk $0xffff, v2  }
0x10b: {  	v6 =	vadd.s32 v63, v11;
	[tilespmem:v7+s19+$0x0] =	vst.idx.add.f32.msk $0xffff, v2  }
.Ltmp5:
0x10c: {  	[tilespmem:v5+s19+$0x0] =	vst.idx.add.f32.msk $0xffff, v2;
	(pc) =	sbr.rel @p0 .LBB2_10-.Ltmp5, $4  }
0x10d: {  	[tilespmem:v58+s19+$0x0] =	vst.idx.add.f32.msk $0xffff, v2  }
0x10e: {  	[tilespmem:v60+s19+$0x0] =	vst.idx.add.f32.msk $0xffff, v2  }
0x10f: {  	[tilespmem:v62+s19+$0x0] =	vst.idx.add.f32.msk $0xffff, v2  }
0x110: {  	[tilespmem:v6+s19+$0x0] =	vst.idx.add.f32.msk $0xffff, v2  }
.Ltmp6:
0x111: {  	(pc) =	sbr.rel .LBB2_4-.Ltmp6, $4  }
0x112: {  	_ =	swait.ge [sflag:s22], $0x8000  }
0x113: {  	[sflag:s22] =	ssyncset.done $0x0  }
0x114: {  	s0 =	sadd.s32 s29, s10;
	s28 =	sadd.s32 $0x1, s28;
	[sflag:s22] =	ssyncadd.s32 $0xFFFF8000  }
0x115: {  	[tilespmem:s17], [sflag:$0x2] =	stream.linear.gather [hbm4b:s0+s4], $0x8000, $0x38;
	[tilespmem:$0x12180] =	vst v63  }
.LBB2_11:
0x116: {  	_ =	sfence.sel $0x180000  }
0x117: {  	[bflag:$0x0] =	sbarrier.arrive $0xFFFF  }
0x118: {  	_ =	strace $0x90000047  }
0x119: {  	s0 =	stileid.u32;
	[bflag:$0x2] =	sbarrier.arrive $0xFFFF  }
0x11a: {  	p0 =	sne.s32 s0, $0x0;
	s0 =	rddreg [dreg:$0x4]  }
0x11b: {  	s0 =	sadd.s32 @!p0 $0x100000, s0  }
0x11c: {  	[sflag:s0] =	ssyncadd.tile.s32 @!p0 $0x1;
	_ =	shalt  }
.Lfunc_end2:
_tile_overlayer_lowered:
.L_overlay_start_2:
0x11d: {  	(tag) =	ssettag $0x2  }
0x11e: {  	s0 =	rddreg [dreg:$0x0];
	s2 =	stileid.u32  }
0x11f: {  	s1 =	rddreg [dreg:$0x1];
	p0 =	sne.s32 s2, $0x0  }
0x120: {  	s3 =	rddreg [dreg:$0x2];
	[bflag:$0x3] =	sbarrier.arrive $0xFFFF;
	s2 =	simm.s32 @!p0 $0x1C05  }
0x121: {  	[timem:s3], [sflag:s2] =	dma.local @!p0 [hbm:s0], s1  }
0x122: {  	s0 =	simm.s32 @!p0 $0x5  }
0x123: {  	_ =	swait.ge @!p0 [sflag:s0], s1  }
0x124: {  	s1 =	ssub.s32 @!p0 $0x0, s1;
	[sflag:s0] =	ssyncset.done @!p0 $0x0  }
0x125: {  	[sflag:s0] =	ssyncadd.s32 @!p0 s1  }
0x126: {  	[bflag:$0x3] =	sbarrier.arrive $0xFFFF  }
0x127: {  	_ =	shalt  }

</sc_bundles>
